<compile_context>
chip_gen: v7x
topology: tpu7x:2x2x1
jax: 0.10.2.dev20260603
libtpu: 0.0.44.dev20260713+nightly
codegen_flags: <defaults>
</compile_context>

<pallas_src>
import functools

import jax
import jax.numpy as jnp
from jax import lax
from jax.experimental import pallas as pl
from jax.experimental.pallas import tpu as pltpu
from jax.experimental.pallas import tpu_sc as plsc

_N = 10000
_E = 320000
_NC = 2
_NS = 16
_NW = _NC * _NS
_EPW = _E // _NW
_CH = 112
_NCHUNK = 90
_EPWP = _NCHUNK * _CH
_DCH = 128
_DNCHUNK = 80
_EPWD = _DNCHUNK * _DCH
_RPT = 624
_RLAST = _N - (_NS - 1) * _RPT
_DEGW = 16


def _sc_mesh():
    return plsc.VectorSubcoreMesh(core_axis_name="c", subcore_axis_name="s")


def _slabbed(sid, fn):
    @pl.when(sid < _NS - 1)
    def _():
        fn(pl.multiple_of(sid * _RPT, 8), _RPT)

    @pl.when(sid == _NS - 1)
    def _():
        fn((_NS - 1) * _RPT, _RLAST)


def _degree_body(dst_hbm, ones_hbm, out_hbm, didx, ones_v, acc, sem):
    cid = lax.axis_index("c")
    sid = lax.axis_index("s")
    wid = cid * _NS + sid
    _slabbed(sid, lambda r0, nr: pltpu.sync_copy(
        ones_hbm.at[pl.ds(0, nr)], acc.at[pl.ds(r0, nr)]))
    pltpu.sync_copy(ones_hbm.at[pl.ds(0, _DCH)], ones_v)
    pltpu.sync_copy(dst_hbm.at[wid], didx)
    plsc.subcore_barrier()

    def s_start(c):
        pltpu.async_copy(ones_v, acc.at[didx.at[c]], sem, add=True)

    def s_wait(c):
        pltpu.make_async_copy(ones_v, acc.at[didx.at[c]], sem).wait()

    s_start(0)

    @pl.loop(1, _DNCHUNK)
    def _chunk(c):
        s_start(c)
        s_wait(c - 1)

    s_wait(_DNCHUNK - 1)
    plsc.subcore_barrier()
    _slabbed(sid, lambda r0, nr: pltpu.sync_copy(
        acc.at[pl.ds(r0, nr)], out_hbm.at[cid, pl.ds(r0, nr)]))


@functools.cache
def _degree_kernel():
    return pl.kernel(
        _degree_body,
        out_type=jax.ShapeDtypeStruct((_NC, _N, _DEGW), jnp.float32),
        mesh=_sc_mesh(),
        scratch_types=[
            pltpu.VMEM((_DNCHUNK, _DCH), jnp.int32),
            pltpu.VMEM((_DCH, _DEGW), jnp.float32),
            pltpu.VMEM_SHARED((_N + 8, _DEGW), jnp.float32),
            pltpu.SemaphoreType.DMA,
        ],
    )


def _edge_body(g_hbm, src_hbm, dst_hbm, out_hbm,
               sidx, didx, buf_a, buf_b, acc, sga, sgb, ssa, ssb):
    cid = lax.axis_index("c")
    sid = lax.axis_index("s")
    wid = cid * _NS + sid
    _slabbed(sid, lambda r0, nr: pltpu.sync_copy(
        g_hbm.at[pl.ds(r0, nr)], acc.at[pl.ds(r0, nr)]))
    pltpu.sync_copy(src_hbm.at[wid], sidx)
    pltpu.sync_copy(dst_hbm.at[wid], didx)
    plsc.subcore_barrier()

    def g_start(c, buf, sem):
        pltpu.async_copy(g_hbm.at[sidx.at[pl.ds(c * _CH, _CH)]], buf, sem)

    def g_wait(c, buf, sem):
        pltpu.make_async_copy(g_hbm.at[sidx.at[pl.ds(c * _CH, _CH)]],
                              buf, sem).wait()

    def s_start(c, buf, sem):
        pltpu.async_copy(buf, acc.at[didx.at[c]], sem, add=True)

    def s_wait(c, buf, sem):
        pltpu.make_async_copy(buf, acc.at[didx.at[c]], sem).wait()

    g_start(0, buf_a, sga)
    g_wait(0, buf_a, sga)
    s_start(0, buf_a, ssa)
    g_start(1, buf_b, sgb)

    @pl.loop(1, _NCHUNK - 1, step=2)
    def _pair(i):
        g_wait(i, buf_b, sgb)
        s_start(i, buf_b, ssb)
        s_wait(i - 1, buf_a, ssa)
        g_start(i + 1, buf_a, sga)
        g_wait(i + 1, buf_a, sga)
        s_start(i + 1, buf_a, ssa)
        s_wait(i, buf_b, ssb)
        g_start(i + 2, buf_b, sgb)

    g_wait(_NCHUNK - 1, buf_b, sgb)
    s_start(_NCHUNK - 1, buf_b, ssb)
    s_wait(_NCHUNK - 2, buf_a, ssa)
    s_wait(_NCHUNK - 1, buf_b, ssb)
    plsc.subcore_barrier()
    _slabbed(sid, lambda r0, nr: pltpu.sync_copy(
        acc.at[pl.ds(r0, nr)], out_hbm.at[cid, pl.ds(r0, nr)]))


@functools.cache
def _edge_kernel(d):
    return pl.kernel(
        _edge_body,
        out_type=jax.ShapeDtypeStruct((_NC, _N, d), jnp.float32),
        mesh=_sc_mesh(),
        scratch_types=[
            pltpu.VMEM((_EPWP,), jnp.int32),
            pltpu.VMEM((_NCHUNK, _CH), jnp.int32),
            pltpu.VMEM((_CH, d), jnp.float32),
            pltpu.VMEM((_CH, d), jnp.float32),
            pltpu.VMEM_SHARED((_N, d), jnp.float32),
            pltpu.SemaphoreType.DMA,
            pltpu.SemaphoreType.DMA,
            pltpu.SemaphoreType.DMA,
            pltpu.SemaphoreType.DMA,
        ],
    )


_R = 1000


def _dinv_block(degp):
    deg = degp[0, :, 0:1] + degp[1, :, 0:1] - 1.0
    return lax.rsqrt(deg)


def _tc1a_body(x_ref, w_ref, h_ref):
    h_ref[...] = jnp.dot(x_ref[...], w_ref[...],
                         preferred_element_type=jnp.float32)


def _tc1b_body(h_ref, degp_ref, g_ref):
    g_ref[...] = h_ref[...] * _dinv_block(degp_ref[...])


def _tc2_body(sp_ref, g_ref, degp_ref, b_ref, w_ref, out_ref):
    dinv = _dinv_block(degp_ref[...])
    s = sp_ref[0] + sp_ref[1] - g_ref[...]
    h = jnp.maximum(s * dinv + b_ref[...], 0.0)
    out_ref[...] = jnp.dot(h, w_ref[...],
                           preferred_element_type=jnp.float32) * dinv


def _tc3_body(sp_ref, g_ref, degp_ref, b_ref, w_ref, fcb_ref, out_ref):
    dinv = _dinv_block(degp_ref[...])
    s = sp_ref[0] + sp_ref[1] - g_ref[...]
    h = jnp.maximum(s * dinv + b_ref[...], 0.0)
    out_ref[...] = jnp.dot(h, w_ref[...],
                           preferred_element_type=jnp.float32) + fcb_ref[...]


def _row_spec(d):
    return pl.BlockSpec((_R, d), lambda i: (i, 0))


def _part_spec(d):
    return pl.BlockSpec((_NC, _R, d), lambda i: (0, i, 0))


def _full_spec(shape):
    nd = len(shape)
    return pl.BlockSpec(shape, lambda i, _nd=nd: (0,) * _nd)


def kernel(x, edge_index, W1, b1, W2, b2, fcW, fcb):
    n, d_in = x.shape
    h1 = W1.shape[1]
    h2 = W2.shape[1]
    src2 = edge_index[0].reshape(_NW, _EPW)
    dst2 = edge_index[1].reshape(_NW, _EPW)
    srce = jnp.pad(src2, ((0, 0), (0, _EPWP - _EPW)), constant_values=_N)
    dste = jnp.pad(dst2, ((0, 0), (0, _EPWP - _EPW))
                   ).reshape(_NW, _NCHUNK, _CH)
    dstd = jnp.pad(dst2, ((0, 0), (0, _EPWD - _EPW)), constant_values=_N
                   ).reshape(_NW, _DNCHUNK, _DCH)
    ones = jnp.ones((_RLAST, _DEGW), jnp.float32)

    d1p = 128
    W1p = jnp.pad(W1, ((0, 0), (0, d1p - h1)))
    b1p = jnp.pad(b1.reshape(1, h1), ((0, 0), (0, d1p - h1)))
    W2p = jnp.pad(W2, ((0, d1p - h1), (0, 0)))

    grid = (n // _R,)
    h1u = pl.pallas_call(
        _tc1a_body,
        grid=grid,
        in_specs=[_row_spec(d_in), _full_spec(W1p.shape)],
        out_specs=_row_spec(d1p),
        out_shape=jax.ShapeDtypeStruct((n, d1p), jnp.float32),
    )(x, W1p)

    degp = _degree_kernel()(dstd, ones)

    g1 = pl.pallas_call(
        _tc1b_body,
        grid=grid,
        in_specs=[_row_spec(d1p), _part_spec(_DEGW)],
        out_specs=_row_spec(d1p),
        out_shape=jax.ShapeDtypeStruct((n, d1p), jnp.float32),
    )(h1u, degp)

    sp1 = _edge_kernel(d1p)(jnp.pad(g1, ((0, 8), (0, 0))), srce, dste)

    g2 = pl.pallas_call(
        _tc2_body,
        grid=grid,
        in_specs=[_part_spec(d1p), _row_spec(d1p), _part_spec(_DEGW),
                  _full_spec((1, d1p)), _full_spec(W2p.shape)],
        out_specs=_row_spec(h2),
        out_shape=jax.ShapeDtypeStruct((n, h2), jnp.float32),
    )(sp1, g1, degp, b1p, W2p)

    sp2 = _edge_kernel(h2)(jnp.pad(g2, ((0, 8), (0, 0))), srce, dste)

    out = pl.pallas_call(
        _tc3_body,
        grid=grid,
        in_specs=[_part_spec(h2), _row_spec(h2), _part_spec(_DEGW),
                  _full_spec((1, h2)), _full_spec(fcW.shape),
                  _full_spec((1, 1))],
        out_specs=_row_spec(1),
        out_shape=jax.ShapeDtypeStruct((n, 1), jnp.float32),
    )(sp2, g2, degp, b2.reshape(1, h2), fcW, fcb.reshape(1, 1))

    return out

# --- scband reference (transcript-rebuilt; emitter-appended) ---
"""Pipeline reference for scband-molecular-gnn-38732015075832 (READ-ONLY COPY).

The authoritative reference and input builder live on the scoring server;
editing this copy changes nothing except your own understanding.
"""

import jax, jax.numpy as jnp
import numpy as np

N = 10000
E = 320000
D_IN = 128
H1 = 64
H2 = 128


def gcn_conv(x, edge_index, W, b):
    num_nodes = x.shape[0]
    src = edge_index[0]
    dst = edge_index[1]
    loop = jnp.arange(num_nodes, dtype=edge_index.dtype)
    src = jnp.concatenate([src, loop])
    dst = jnp.concatenate([dst, loop])
    # symmetric normalization D^{-1/2} (A+I) D^{-1/2}
    deg = jnp.zeros((num_nodes,), x.dtype).at[dst].add(1.0)
    dinv = jnp.where(deg > 0, jax.lax.rsqrt(jnp.maximum(deg, 1e-12)), 0.0)
    norm = dinv[src] * dinv[dst]
    h = x @ W  # linear transform first (PyG GCNConv)
    msg = jnp.take(h, src, axis=0) * norm[:, None]  # gather
    out = jax.ops.segment_sum(msg, dst, num_segments=num_nodes)  # scatter-add
    return out + b


def setup_inputs(seed: int = 0) -> dict:
    key = jax.random.key(seed)
    ks = jax.random.split(key, 8)
    x = jax.random.normal(ks[0], (N, D_IN), dtype=jnp.float32)
    edge_index = jax.random.randint(ks[1], (2, E), 0, N)
    W1 = jax.random.normal(ks[2], (D_IN, H1), dtype=jnp.float32) * (1.0 / np.sqrt(D_IN))
    b1 = jnp.zeros((H1,), dtype=jnp.float32)
    W2 = jax.random.normal(ks[3], (H1, H2), dtype=jnp.float32) * (1.0 / np.sqrt(H1))
    b2 = jnp.zeros((H2,), dtype=jnp.float32)
    fcW = jax.random.normal(ks[4], (H2, 1), dtype=jnp.float32) * (1.0 / np.sqrt(H2))
    fcb = jnp.zeros((1,), dtype=jnp.float32)
    return {"x": x, "edge_index": edge_index, "W1": W1, "b1": b1, "W2": W2, "b2": b2, "fcW": fcW, "fcb": fcb}


def reference(x, edge_index, W1, b1, W2, b2, fcW, fcb):
    h = jax.nn.relu(gcn_conv(x, edge_index, W1, b1))
    h = jax.nn.relu(gcn_conv(h, edge_index, W2, b2))
    return h @ fcW + fcb

if __name__ == "__main__":
    import jax
    _d = setup_inputs()
    print(jax.jit(kernel)(*tuple(_d.values())))

</pallas_src>

<mosaic_0001>
#map = affine_map<(d0, d1) -> (0, 0)>
#map1 = affine_map<(d0, d1) -> (0, 0, 0)>
module attributes {stable_mosaic.version = 14 : i64} {
  func.func @_edge_body(%arg0: i32, %arg1: i32, %arg2: memref<10008x128xf32, #tpu.memory_space<hbm>>, %arg3: memref<32x10080xi32, #tpu.memory_space<hbm>>, %arg4: memref<32x90x112xi32, #tpu.memory_space<hbm>>, %arg5: memref<2x10000x128xf32, #tpu.memory_space<hbm>>, %arg6: memref<10080xi32, #tpu.memory_space<vmem>>, %arg7: memref<90x112xi32, #tpu.memory_space<vmem>>, %arg8: memref<112x128xf32, #tpu.memory_space<vmem>>, %arg9: memref<112x128xf32, #tpu.memory_space<vmem>>, %arg10: memref<10000x128xf32, #tpu.memory_space<vmem_shared>>, %arg11: memref<!tpu.dma_semaphore, #tpu.memory_space<semaphore_mem>>, %arg12: memref<!tpu.dma_semaphore, #tpu.memory_space<semaphore_mem>>, %arg13: memref<!tpu.dma_semaphore, #tpu.memory_space<semaphore_mem>>, %arg14: memref<!tpu.dma_semaphore, #tpu.memory_space<semaphore_mem>>) attributes {dimension_semantics = [#tpu.dimension_semantics<core_parallel>, #tpu.dimension_semantics<subcore_parallel>], iteration_bounds = array<i64: 2, 16>, scalar_prefetch = 0 : i64, scratch_operands = 9 : i64, tpu.core_type = #tpu.core_type<sc_vector_subcore>, window_params = [{transform_indices = #map}, {transform_indices = #map}, {transform_indices = #map1}, {transform_indices = #map1}]} {
    %mul3A = arith.constant 16 : i32
    %mul3A_0 = arith.muli %arg0, %mul3A : i32
    %add3A = arith.addi %mul3A_0, %arg1 : i32
    %lt3A = arith.constant 15 : i32
    %lt3A_1 = arith.cmpi slt, %arg1, %lt3A : i32
    %convert_element_type3A = arith.extui %lt3A_1 : i1 to i32
    %cond3A = arith.constant 0 : i32
    %cond3A_2 = arith.cmpi ne, %convert_element_type3A, %cond3A : i32
    scf.if %cond3A_2 {
      %mul3A_68 = arith.constant 624 : i32
      %mul3A_69 = arith.muli %arg1, %mul3A_68 : i32
      %multiple_of3A = tpu.assume_multiple %mul3A_69, 8 : i32
      "tpu.region"() ({
        %run_scoped3A = tpu.sem_alloc : memref<!tpu.dma_semaphore, #tpu.memory_space<semaphore_mem>>
        %dma_start3A_70 = arith.constant 0 : i32
        %dma_start3A_71 = tpu.memref_slice %arg10[%multiple_of3A, %dma_start3A_70] : memref<10000x128xf32, #tpu.memory_space<vmem_shared>> -> memref<624x128xf32, #tpu.memory_space<vmem_shared>>
        %dma_start3A_72 = arith.constant 0 : i32
        %dma_start3A_73 = tpu.memref_slice %arg2[%multiple_of3A, %dma_start3A_72] : memref<10008x128xf32, #tpu.memory_space<hbm>> -> memref<624x128xf32, #tpu.memory_space<hbm>>
        tpu.enqueue_dma source(%dma_start3A_73 : memref<624x128xf32, #tpu.memory_space<hbm>>) target(%dma_start3A_71 : memref<624x128xf32, #tpu.memory_space<vmem_shared>>) target_semaphore(%run_scoped3A : memref<!tpu.dma_semaphore, #tpu.memory_space<semaphore_mem>>)
        %dma_wait3A_74 = arith.constant 0 : i32
        %dma_wait3A_75 = tpu.memref_slice %arg10[%multiple_of3A, %dma_wait3A_74] : memref<10000x128xf32, #tpu.memory_space<vmem_shared>> -> memref<624x128xf32, #tpu.memory_space<vmem_shared>>
        %dma_wait3A_76 = arith.constant 0 : i32
        %dma_wait3A_77 = tpu.memref_slice %arg2[%multiple_of3A, %dma_wait3A_76] : memref<10008x128xf32, #tpu.memory_space<hbm>> -> memref<624x128xf32, #tpu.memory_space<hbm>>
        tpu.wait_dma2 semaphore(%run_scoped3A : memref<!tpu.dma_semaphore, #tpu.memory_space<semaphore_mem>>) src(%dma_wait3A_77 : memref<624x128xf32, #tpu.memory_space<hbm>>) dst(%dma_wait3A_75 : memref<624x128xf32, #tpu.memory_space<vmem_shared>>)
        tpu.yield
      }) : () -> ()
    } else {
    }
    %eq3A = arith.constant 15 : i32
    %eq3A_3 = arith.cmpi eq, %arg1, %eq3A : i32
    %convert_element_type3A_4 = arith.extui %eq3A_3 : i1 to i32
    %cond3A_5 = arith.constant 0 : i32
    %cond3A_6 = arith.cmpi ne, %convert_element_type3A_4, %cond3A_5 : i32
    scf.if %cond3A_6 {
      "tpu.region"() ({
        %run_scoped3A = tpu.sem_alloc : memref<!tpu.dma_semaphore, #tpu.memory_space<semaphore_mem>>
        %dma_start3A_68 = arith.constant 9360 : i32
        %dma_start3A_69 = arith.constant 0 : i32
        %dma_start3A_70 = tpu.memref_slice %arg10[%dma_start3A_68, %dma_start3A_69] : memref<10000x128xf32, #tpu.memory_space<vmem_shared>> -> memref<640x128xf32, #tpu.memory_space<vmem_shared>>
        %dma_start3A_71 = arith.constant 9360 : i32
        %dma_start3A_72 = arith.constant 0 : i32
        %dma_start3A_73 = tpu.memref_slice %arg2[%dma_start3A_71, %dma_start3A_72] : memref<10008x128xf32, #tpu.memory_space<hbm>> -> memref<640x128xf32, #tpu.memory_space<hbm>>
        tpu.enqueue_dma source(%dma_start3A_73 : memref<640x128xf32, #tpu.memory_space<hbm>>) target(%dma_start3A_70 : memref<640x128xf32, #tpu.memory_space<vmem_shared>>) target_semaphore(%run_scoped3A : memref<!tpu.dma_semaphore, #tpu.memory_space<semaphore_mem>>)
        %dma_wait3A_74 = arith.constant 9360 : i32
        %dma_wait3A_75 = arith.constant 0 : i32
        %dma_wait3A_76 = tpu.memref_slice %arg10[%dma_wait3A_74, %dma_wait3A_75] : memref<10000x128xf32, #tpu.memory_space<vmem_shared>> -> memref<640x128xf32, #tpu.memory_space<vmem_shared>>
        %dma_wait3A_77 = arith.constant 9360 : i32
        %dma_wait3A_78 = arith.constant 0 : i32
        %dma_wait3A_79 = tpu.memref_slice %arg2[%dma_wait3A_77, %dma_wait3A_78] : memref<10008x128xf32, #tpu.memory_space<hbm>> -> memref<640x128xf32, #tpu.memory_space<hbm>>
        tpu.wait_dma2 semaphore(%run_scoped3A : memref<!tpu.dma_semaphore, #tpu.memory_space<semaphore_mem>>) src(%dma_wait3A_79 : memref<640x128xf32, #tpu.memory_space<hbm>>) dst(%dma_wait3A_76 : memref<640x128xf32, #tpu.memory_space<vmem_shared>>)
        tpu.yield
      }) : () -> ()
    } else {
    }
    "tpu.region"() ({
      %run_scoped3A = tpu.sem_alloc : memref<!tpu.dma_semaphore, #tpu.memory_space<semaphore_mem>>
      %dma_start3A_68 = arith.constant 0 : i32
      %dma_start3A_69 = tpu.memref_slice %arg3[%add3A, %dma_start3A_68] : memref<32x10080xi32, #tpu.memory_space<hbm>> -> memref<1x10080xi32, #tpu.memory_space<hbm>>
      %dma_start3A_70 = tpu.memref_squeeze %dma_start3A_69 : memref<1x10080xi32, #tpu.memory_space<hbm>> -> memref<10080xi32, #tpu.memory_space<hbm>>
      %dma_start3A_71 = arith.constant 0 : i32
      %dma_start3A_72 = tpu.memref_slice %arg3[%add3A, %dma_start3A_71] : memref<32x10080xi32, #tpu.memory_space<hbm>> -> memref<1x10080xi32, #tpu.memory_space<hbm>>
      %dma_start3A_73 = tpu.memref_squeeze %dma_start3A_72 : memref<1x10080xi32, #tpu.memory_space<hbm>> -> memref<10080xi32, #tpu.memory_space<hbm>>
      tpu.enqueue_dma source(%dma_start3A_73 : memref<10080xi32, #tpu.memory_space<hbm>>) target(%arg6 : memref<10080xi32, #tpu.memory_space<vmem>>) target_semaphore(%run_scoped3A : memref<!tpu.dma_semaphore, #tpu.memory_space<semaphore_mem>>)
      %dma_wait3A_74 = arith.constant 0 : i32
      %dma_wait3A_75 = tpu.memref_slice %arg3[%add3A, %dma_wait3A_74] : memref<32x10080xi32, #tpu.memory_space<hbm>> -> memref<1x10080xi32, #tpu.memory_space<hbm>>
      %dma_wait3A_76 = tpu.memref_squeeze %dma_wait3A_75 : memref<1x10080xi32, #tpu.memory_space<hbm>> -> memref<10080xi32, #tpu.memory_space<hbm>>
      %dma_wait3A_77 = arith.constant 0 : i32
      %dma_wait3A_78 = tpu.memref_slice %arg3[%add3A, %dma_wait3A_77] : memref<32x10080xi32, #tpu.memory_space<hbm>> -> memref<1x10080xi32, #tpu.memory_space<hbm>>
      %dma_wait3A_79 = tpu.memref_squeeze %dma_wait3A_78 : memref<1x10080xi32, #tpu.memory_space<hbm>> -> memref<10080xi32, #tpu.memory_space<hbm>>
      tpu.wait_dma2 semaphore(%run_scoped3A : memref<!tpu.dma_semaphore, #tpu.memory_space<semaphore_mem>>) src(%dma_wait3A_79 : memref<10080xi32, #tpu.memory_space<hbm>>) dst(%arg6 : memref<10080xi32, #tpu.memory_space<vmem>>)
      tpu.yield
    }) : () -> ()
    "tpu.region"() ({
      %run_scoped3A = tpu.sem_alloc : memref<!tpu.dma_semaphore, #tpu.memory_space<semaphore_mem>>
      %dma_start3A_68 = arith.constant 0 : i32
      %dma_start3A_69 = arith.constant 0 : i32
      %dma_start3A_70 = tpu.memref_slice %arg4[%add3A, %dma_start3A_68, %dma_start3A_69] : memref<32x90x112xi32, #tpu.memory_space<hbm>> -> memref<1x90x112xi32, #tpu.memory_space<hbm>>
      %dma_start3A_71 = tpu.memref_squeeze %dma_start3A_70 : memref<1x90x112xi32, #tpu.memory_space<hbm>> -> memref<90x112xi32, #tpu.memory_space<hbm>>
      %dma_start3A_72 = arith.constant 0 : i32
      %dma_start3A_73 = arith.constant 0 : i32
      %dma_start3A_74 = tpu.memref_slice %arg4[%add3A, %dma_start3A_72, %dma_start3A_73] : memref<32x90x112xi32, #tpu.memory_space<hbm>> -> memref<1x90x112xi32, #tpu.memory_space<hbm>>
      %dma_start3A_75 = tpu.memref_squeeze %dma_start3A_74 : memref<1x90x112xi32, #tpu.memory_space<hbm>> -> memref<90x112xi32, #tpu.memory_space<hbm>>
      tpu.enqueue_dma source(%dma_start3A_75 : memref<90x112xi32, #tpu.memory_space<hbm>>) target(%arg7 : memref<90x112xi32, #tpu.memory_space<vmem>>) target_semaphore(%run_scoped3A : memref<!tpu.dma_semaphore, #tpu.memory_space<semaphore_mem>>)
      %dma_wait3A_76 = arith.constant 0 : i32
      %dma_wait3A_77 = arith.constant 0 : i32
      %dma_wait3A_78 = tpu.memref_slice %arg4[%add3A, %dma_wait3A_76, %dma_wait3A_77] : memref<32x90x112xi32, #tpu.memory_space<hbm>> -> memref<1x90x112xi32, #tpu.memory_space<hbm>>
      %dma_wait3A_79 = tpu.memref_squeeze %dma_wait3A_78 : memref<1x90x112xi32, #tpu.memory_space<hbm>> -> memref<90x112xi32, #tpu.memory_space<hbm>>
      %dma_wait3A_80 = arith.constant 0 : i32
      %dma_wait3A_81 = arith.constant 0 : i32
      %dma_wait3A_82 = tpu.memref_slice %arg4[%add3A, %dma_wait3A_80, %dma_wait3A_81] : memref<32x90x112xi32, #tpu.memory_space<hbm>> -> memref<1x90x112xi32, #tpu.memory_space<hbm>>
      %dma_wait3A_83 = tpu.memref_squeeze %dma_wait3A_82 : memref<1x90x112xi32, #tpu.memory_space<hbm>> -> memref<90x112xi32, #tpu.memory_space<hbm>>
      tpu.wait_dma2 semaphore(%run_scoped3A : memref<!tpu.dma_semaphore, #tpu.memory_space<semaphore_mem>>) src(%dma_wait3A_83 : memref<90x112xi32, #tpu.memory_space<hbm>>) dst(%arg7 : memref<90x112xi32, #tpu.memory_space<vmem>>)
      tpu.yield
    }) : () -> ()
    %barrier3A = arith.constant 0 : index
    tpu.barrier barrier_id(%barrier3A)
    %dma_start3A = arith.constant 0 : i32
    %dma_start3A_7 = tpu.memref_slice %arg6[%dma_start3A] : memref<10080xi32, #tpu.memory_space<vmem>> -> memref<112xi32, #tpu.memory_space<vmem>>
    %dma_start3A_8 = arith.constant 0 : i32
    %dma_start3A_9 = arith.constant 0 : i32
    %dma_start3A_10 = tpu.memref_slice %arg2[%dma_start3A_8, %dma_start3A_9] : memref<10008x128xf32, #tpu.memory_space<hbm>> -> memref<10008x128xf32, #tpu.memory_space<hbm>>
    tpu.enqueue_indirect_dma source(%dma_start3A_10 : memref<10008x128xf32, #tpu.memory_space<hbm>>) target(%arg8 : memref<112x128xf32, #tpu.memory_space<vmem>>) offsets(%dma_start3A_7 : memref<112xi32, #tpu.memory_space<vmem>>) semaphore(%arg11 : memref<!tpu.dma_semaphore, #tpu.memory_space<semaphore_mem>>)
    %dma_wait3A = arith.constant 0 : i32
    %dma_wait3A_11 = tpu.memref_slice %arg6[%dma_wait3A] : memref<10080xi32, #tpu.memory_space<vmem>> -> memref<112xi32, #tpu.memory_space<vmem>>
    %dma_wait3A_12 = arith.constant 0 : i32
    %dma_wait3A_13 = arith.constant 0 : i32
    %dma_wait3A_14 = tpu.memref_slice %arg2[%dma_wait3A_12, %dma_wait3A_13] : memref<10008x128xf32, #tpu.memory_space<hbm>> -> memref<10008x128xf32, #tpu.memory_space<hbm>>
    tpu.wait_indirect_dma semaphore(%arg11 : memref<!tpu.dma_semaphore, #tpu.memory_space<semaphore_mem>>) src(%dma_wait3A_14 : memref<10008x128xf32, #tpu.memory_space<hbm>>) dst(%arg8 : memref<112x128xf32, #tpu.memory_space<vmem>>)
    %dma_start3A_15 = arith.constant 0 : i32
    %dma_start3A_16 = arith.constant 0 : i32
    %dma_start3A_17 = tpu.memref_slice %arg7[%dma_start3A_15, %dma_start3A_16] : memref<90x112xi32, #tpu.memory_space<vmem>> -> memref<1x112xi32, #tpu.memory_space<vmem>>
    %dma_start3A_18 = tpu.memref_squeeze %dma_start3A_17 : memref<1x112xi32, #tpu.memory_space<vmem>> -> memref<112xi32, #tpu.memory_space<vmem>>
    %dma_start3A_19 = arith.constant 0 : i32
    %dma_start3A_20 = arith.constant 0 : i32
    %dma_start3A_21 = tpu.memref_slice %arg10[%dma_start3A_19, %dma_start3A_20] : memref<10000x128xf32, #tpu.memory_space<vmem_shared>> -> memref<10000x128xf32, #tpu.memory_space<vmem_shared>>
    tpu.enqueue_indirect_dma source(%arg8 : memref<112x128xf32, #tpu.memory_space<vmem>>) target(%dma_start3A_21 : memref<10000x128xf32, #tpu.memory_space<vmem_shared>>) offsets(%dma_start3A_18 : memref<112xi32, #tpu.memory_space<vmem>>) semaphore(%arg13 : memref<!tpu.dma_semaphore, #tpu.memory_space<semaphore_mem>>) {add = true}
    %dma_start3A_22 = arith.constant 112 : i32
    %dma_start3A_23 = tpu.memref_slice %arg6[%dma_start3A_22] : memref<10080xi32, #tpu.memory_space<vmem>> -> memref<112xi32, #tpu.memory_space<vmem>>
    %dma_start3A_24 = arith.constant 0 : i32
    %dma_start3A_25 = arith.constant 0 : i32
    %dma_start3A_26 = tpu.memref_slice %arg2[%dma_start3A_24, %dma_start3A_25] : memref<10008x128xf32, #tpu.memory_space<hbm>> -> memref<10008x128xf32, #tpu.memory_space<hbm>>
    tpu.enqueue_indirect_dma source(%dma_start3A_26 : memref<10008x128xf32, #tpu.memory_space<hbm>>) target(%arg9 : memref<112x128xf32, #tpu.memory_space<vmem>>) offsets(%dma_start3A_23 : memref<112xi32, #tpu.memory_space<vmem>>) semaphore(%arg12 : memref<!tpu.dma_semaphore, #tpu.memory_space<semaphore_mem>>)
    %scan3A = arith.constant 0 : i32
    %scan3A_27 = arith.constant 44 : i32
    %scan3A_28 = arith.addi %scan3A, %scan3A_27 : i32
    %scan3A_29 = arith.constant 1 : i32
    scf.for %scan3A_68 = %scan3A to %scan3A_28 step %scan3A_29  : i32 {
      %mul3A_69 = arith.constant 2 : i32
      %mul3A_70 = arith.muli %scan3A_68, %mul3A_69 : i32
      %add3A_71 = arith.constant 1 : i32
      %add3A_72 = arith.addi %add3A_71, %mul3A_70 : i32
      %mul3A_73 = arith.constant 112 : i32
      %mul3A_74 = arith.muli %add3A_72, %mul3A_73 : i32
      %dma_wait3A_75 = tpu.memref_slice %arg6[%mul3A_74] : memref<10080xi32, #tpu.memory_space<vmem>> -> memref<112xi32, #tpu.memory_space<vmem>>
      %dma_wait3A_76 = arith.constant 0 : i32
      %dma_wait3A_77 = arith.constant 0 : i32
      %dma_wait3A_78 = tpu.memref_slice %arg2[%dma_wait3A_76, %dma_wait3A_77] : memref<10008x128xf32, #tpu.memory_space<hbm>> -> memref<10008x128xf32, #tpu.memory_space<hbm>>
      tpu.wait_indirect_dma semaphore(%arg12 : memref<!tpu.dma_semaphore, #tpu.memory_space<semaphore_mem>>) src(%dma_wait3A_78 : memref<10008x128xf32, #tpu.memory_space<hbm>>) dst(%arg9 : memref<112x128xf32, #tpu.memory_space<vmem>>)
      %dma_start3A_79 = arith.constant 0 : i32
      %dma_start3A_80 = tpu.memref_slice %arg7[%add3A_72, %dma_start3A_79] : memref<90x112xi32, #tpu.memory_space<vmem>> -> memref<1x112xi32, #tpu.memory_space<vmem>>
      %dma_start3A_81 = tpu.memref_squeeze %dma_start3A_80 : memref<1x112xi32, #tpu.memory_space<vmem>> -> memref<112xi32, #tpu.memory_space<vmem>>
      %dma_start3A_82 = arith.constant 0 : i32
      %dma_start3A_83 = arith.constant 0 : i32
      %dma_start3A_84 = tpu.memref_slice %arg10[%dma_start3A_82, %dma_start3A_83] : memref<10000x128xf32, #tpu.memory_space<vmem_shared>> -> memref<10000x128xf32, #tpu.memory_space<vmem_shared>>
      tpu.enqueue_indirect_dma source(%arg9 : memref<112x128xf32, #tpu.memory_space<vmem>>) target(%dma_start3A_84 : memref<10000x128xf32, #tpu.memory_space<vmem_shared>>) offsets(%dma_start3A_81 : memref<112xi32, #tpu.memory_space<vmem>>) semaphore(%arg14 : memref<!tpu.dma_semaphore, #tpu.memory_space<semaphore_mem>>) {add = true}
      %sub3A = arith.constant 1 : i32
      %sub3A_85 = arith.subi %add3A_72, %sub3A : i32
      %dma_wait3A_86 = arith.constant 0 : i32
      %dma_wait3A_87 = tpu.memref_slice %arg7[%sub3A_85, %dma_wait3A_86] : memref<90x112xi32, #tpu.memory_space<vmem>> -> memref<1x112xi32, #tpu.memory_space<vmem>>
      %dma_wait3A_88 = tpu.memref_squeeze %dma_wait3A_87 : memref<1x112xi32, #tpu.memory_space<vmem>> -> memref<112xi32, #tpu.memory_space<vmem>>
      %dma_wait3A_89 = arith.constant 0 : i32
      %dma_wait3A_90 = arith.constant 0 : i32
      %dma_wait3A_91 = tpu.memref_slice %arg10[%dma_wait3A_89, %dma_wait3A_90] : memref<10000x128xf32, #tpu.memory_space<vmem_shared>> -> memref<10000x128xf32, #tpu.memory_space<vmem_shared>>
      tpu.wait_indirect_dma semaphore(%arg13 : memref<!tpu.dma_semaphore, #tpu.memory_space<semaphore_mem>>) src(%arg8 : memref<112x128xf32, #tpu.memory_space<vmem>>) dst(%dma_wait3A_91 : memref<10000x128xf32, #tpu.memory_space<vmem_shared>>)
      %add3A_92 = arith.constant 1 : i32
      %add3A_93 = arith.addi %add3A_72, %add3A_92 : i32
      %mul3A_94 = arith.constant 112 : i32
      %mul3A_95 = arith.muli %add3A_93, %mul3A_94 : i32
      %dma_start3A_96 = tpu.memref_slice %arg6[%mul3A_95] : memref<10080xi32, #tpu.memory_space<vmem>> -> memref<112xi32, #tpu.memory_space<vmem>>
      %dma_start3A_97 = arith.constant 0 : i32
      %dma_start3A_98 = arith.constant 0 : i32
      %dma_start3A_99 = tpu.memref_slice %arg2[%dma_start3A_97, %dma_start3A_98] : memref<10008x128xf32, #tpu.memory_space<hbm>> -> memref<10008x128xf32, #tpu.memory_space<hbm>>
      tpu.enqueue_indirect_dma source(%dma_start3A_99 : memref<10008x128xf32, #tpu.memory_space<hbm>>) target(%arg8 : memref<112x128xf32, #tpu.memory_space<vmem>>) offsets(%dma_start3A_96 : memref<112xi32, #tpu.memory_space<vmem>>) semaphore(%arg11 : memref<!tpu.dma_semaphore, #tpu.memory_space<semaphore_mem>>)
      %add3A_100 = arith.constant 1 : i32
      %add3A_101 = arith.addi %add3A_72, %add3A_100 : i32
      %mul3A_102 = arith.constant 112 : i32
      %mul3A_103 = arith.muli %add3A_101, %mul3A_102 : i32
      %dma_wait3A_104 = tpu.memref_slice %arg6[%mul3A_103] : memref<10080xi32, #tpu.memory_space<vmem>> -> memref<112xi32, #tpu.memory_space<vmem>>
      %dma_wait3A_105 = arith.constant 0 : i32
      %dma_wait3A_106 = arith.constant 0 : i32
      %dma_wait3A_107 = tpu.memref_slice %arg2[%dma_wait3A_105, %dma_wait3A_106] : memref<10008x128xf32, #tpu.memory_space<hbm>> -> memref<10008x128xf32, #tpu.memory_space<hbm>>
      tpu.wait_indirect_dma semaphore(%arg11 : memref<!tpu.dma_semaphore, #tpu.memory_space<semaphore_mem>>) src(%dma_wait3A_107 : memref<10008x128xf32, #tpu.memory_space<hbm>>) dst(%arg8 : memref<112x128xf32, #tpu.memory_space<vmem>>)
      %add3A_108 = arith.constant 1 : i32
      %add3A_109 = arith.addi %add3A_72, %add3A_108 : i32
      %dma_start3A_110 = arith.constant 0 : i32
      %dma_start3A_111 = tpu.memref_slice %arg7[%add3A_109, %dma_start3A_110] : memref<90x112xi32, #tpu.memory_space<vmem>> -> memref<1x112xi32, #tpu.memory_space<vmem>>
      %dma_start3A_112 = tpu.memref_squeeze %dma_start3A_111 : memref<1x112xi32, #tpu.memory_space<vmem>> -> memref<112xi32, #tpu.memory_space<vmem>>
      %dma_start3A_113 = arith.constant 0 : i32
      %dma_start3A_114 = arith.constant 0 : i32
      %dma_start3A_115 = tpu.memref_slice %arg10[%dma_start3A_113, %dma_start3A_114] : memref<10000x128xf32, #tpu.memory_space<vmem_shared>> -> memref<10000x128xf32, #tpu.memory_space<vmem_shared>>
      tpu.enqueue_indirect_dma source(%arg8 : memref<112x128xf32, #tpu.memory_space<vmem>>) target(%dma_start3A_115 : memref<10000x128xf32, #tpu.memory_space<vmem_shared>>) offsets(%dma_start3A_112 : memref<112xi32, #tpu.memory_space<vmem>>) semaphore(%arg13 : memref<!tpu.dma_semaphore, #tpu.memory_space<semaphore_mem>>) {add = true}
      %dma_wait3A_116 = arith.constant 0 : i32
      %dma_wait3A_117 = tpu.memref_slice %arg7[%add3A_72, %dma_wait3A_116] : memref<90x112xi32, #tpu.memory_space<vmem>> -> memref<1x112xi32, #tpu.memory_space<vmem>>
      %dma_wait3A_118 = tpu.memref_squeeze %dma_wait3A_117 : memref<1x112xi32, #tpu.memory_space<vmem>> -> memref<112xi32, #tpu.memory_space<vmem>>
      %dma_wait3A_119 = arith.constant 0 : i32
      %dma_wait3A_120 = arith.constant 0 : i32
      %dma_wait3A_121 = tpu.memref_slice %arg10[%dma_wait3A_119, %dma_wait3A_120] : memref<10000x128xf32, #tpu.memory_space<vmem_shared>> -> memref<10000x128xf32, #tpu.memory_space<vmem_shared>>
      tpu.wait_indirect_dma semaphore(%arg14 : memref<!tpu.dma_semaphore, #tpu.memory_space<semaphore_mem>>) src(%arg9 : memref<112x128xf32, #tpu.memory_space<vmem>>) dst(%dma_wait3A_121 : memref<10000x128xf32, #tpu.memory_space<vmem_shared>>)
      %add3A_122 = arith.constant 2 : i32
      %add3A_123 = arith.addi %add3A_72, %add3A_122 : i32
      %mul3A_124 = arith.constant 112 : i32
      %mul3A_125 = arith.muli %add3A_123, %mul3A_124 : i32
      %dma_start3A_126 = tpu.memref_slice %arg6[%mul3A_125] : memref<10080xi32, #tpu.memory_space<vmem>> -> memref<112xi32, #tpu.memory_space<vmem>>
      %dma_start3A_127 = arith.constant 0 : i32
      %dma_start3A_128 = arith.constant 0 : i32
      %dma_start3A_129 = tpu.memref_slice %arg2[%dma_start3A_127, %dma_start3A_128] : memref<10008x128xf32, #tpu.memory_space<hbm>> -> memref<10008x128xf32, #tpu.memory_space<hbm>>
      tpu.enqueue_indirect_dma source(%dma_start3A_129 : memref<10008x128xf32, #tpu.memory_space<hbm>>) target(%arg9 : memref<112x128xf32, #tpu.memory_space<vmem>>) offsets(%dma_start3A_126 : memref<112xi32, #tpu.memory_space<vmem>>) semaphore(%arg12 : memref<!tpu.dma_semaphore, #tpu.memory_space<semaphore_mem>>)
    }
    %scan3A_30 = arith.constant 44 : i32
    %dma_wait3A_31 = arith.constant 9968 : i32
    %dma_wait3A_32 = tpu.memref_slice %arg6[%dma_wait3A_31] : memref<10080xi32, #tpu.memory_space<vmem>> -> memref<112xi32, #tpu.memory_space<vmem>>
    %dma_wait3A_33 = arith.constant 0 : i32
    %dma_wait3A_34 = arith.constant 0 : i32
    %dma_wait3A_35 = tpu.memref_slice %arg2[%dma_wait3A_33, %dma_wait3A_34] : memref<10008x128xf32, #tpu.memory_space<hbm>> -> memref<10008x128xf32, #tpu.memory_space<hbm>>
    tpu.wait_indirect_dma semaphore(%arg12 : memref<!tpu.dma_semaphore, #tpu.memory_space<semaphore_mem>>) src(%dma_wait3A_35 : memref<10008x128xf32, #tpu.memory_space<hbm>>) dst(%arg9 : memref<112x128xf32, #tpu.memory_space<vmem>>)
    %dma_start3A_36 = arith.constant 89 : i32
    %dma_start3A_37 = arith.constant 0 : i32
    %dma_start3A_38 = tpu.memref_slice %arg7[%dma_start3A_36, %dma_start3A_37] : memref<90x112xi32, #tpu.memory_space<vmem>> -> memref<1x112xi32, #tpu.memory_space<vmem>>
    %dma_start3A_39 = tpu.memref_squeeze %dma_start3A_38 : memref<1x112xi32, #tpu.memory_space<vmem>> -> memref<112xi32, #tpu.memory_space<vmem>>
    %dma_start3A_40 = arith.constant 0 : i32
    %dma_start3A_41 = arith.constant 0 : i32
    %dma_start3A_42 = tpu.memref_slice %arg10[%dma_start3A_40, %dma_start3A_41] : memref<10000x128xf32, #tpu.memory_space<vmem_shared>> -> memref<10000x128xf32, #tpu.memory_space<vmem_shared>>
    tpu.enqueue_indirect_dma source(%arg9 : memref<112x128xf32, #tpu.memory_space<vmem>>) target(%dma_start3A_42 : memref<10000x128xf32, #tpu.memory_space<vmem_shared>>) offsets(%dma_start3A_39 : memref<112xi32, #tpu.memory_space<vmem>>) semaphore(%arg14 : memref<!tpu.dma_semaphore, #tpu.memory_space<semaphore_mem>>) {add = true}
    %dma_wait3A_43 = arith.constant 88 : i32
    %dma_wait3A_44 = arith.constant 0 : i32
    %dma_wait3A_45 = tpu.memref_slice %arg7[%dma_wait3A_43, %dma_wait3A_44] : memref<90x112xi32, #tpu.memory_space<vmem>> -> memref<1x112xi32, #tpu.memory_space<vmem>>
    %dma_wait3A_46 = tpu.memref_squeeze %dma_wait3A_45 : memref<1x112xi32, #tpu.memory_space<vmem>> -> memref<112xi32, #tpu.memory_space<vmem>>
    %dma_wait3A_47 = arith.constant 0 : i32
    %dma_wait3A_48 = arith.constant 0 : i32
    %dma_wait3A_49 = tpu.memref_slice %arg10[%dma_wait3A_47, %dma_wait3A_48] : memref<10000x128xf32, #tpu.memory_space<vmem_shared>> -> memref<10000x128xf32, #tpu.memory_space<vmem_shared>>
    tpu.wait_indirect_dma semaphore(%arg13 : memref<!tpu.dma_semaphore, #tpu.memory_space<semaphore_mem>>) src(%arg8 : memref<112x128xf32, #tpu.memory_space<vmem>>) dst(%dma_wait3A_49 : memref<10000x128xf32, #tpu.memory_space<vmem_shared>>)
    %dma_wait3A_50 = arith.constant 89 : i32
    %dma_wait3A_51 = arith.constant 0 : i32
    %dma_wait3A_52 = tpu.memref_slice %arg7[%dma_wait3A_50, %dma_wait3A_51] : memref<90x112xi32, #tpu.memory_space<vmem>> -> memref<1x112xi32, #tpu.memory_space<vmem>>
    %dma_wait3A_53 = tpu.memref_squeeze %dma_wait3A_52 : memref<1x112xi32, #tpu.memory_space<vmem>> -> memref<112xi32, #tpu.memory_space<vmem>>
    %dma_wait3A_54 = arith.constant 0 : i32
    %dma_wait3A_55 = arith.constant 0 : i32
    %dma_wait3A_56 = tpu.memref_slice %arg10[%dma_wait3A_54, %dma_wait3A_55] : memref<10000x128xf32, #tpu.memory_space<vmem_shared>> -> memref<10000x128xf32, #tpu.memory_space<vmem_shared>>
    tpu.wait_indirect_dma semaphore(%arg14 : memref<!tpu.dma_semaphore, #tpu.memory_space<semaphore_mem>>) src(%arg9 : memref<112x128xf32, #tpu.memory_space<vmem>>) dst(%dma_wait3A_56 : memref<10000x128xf32, #tpu.memory_space<vmem_shared>>)
    %barrier3A_57 = arith.constant 0 : index
    tpu.barrier barrier_id(%barrier3A_57)
    %lt3A_58 = arith.constant 15 : i32
    %lt3A_59 = arith.cmpi slt, %arg1, %lt3A_58 : i32
    %convert_element_type3A_60 = arith.extui %lt3A_59 : i1 to i32
    %cond3A_61 = arith.constant 0 : i32
    %cond3A_62 = arith.cmpi ne, %convert_element_type3A_60, %cond3A_61 : i32
    scf.if %cond3A_62 {
      %mul3A_68 = arith.constant 624 : i32
      %mul3A_69 = arith.muli %arg1, %mul3A_68 : i32
      %multiple_of3A = tpu.assume_multiple %mul3A_69, 8 : i32
      "tpu.region"() ({
        %run_scoped3A = tpu.sem_alloc : memref<!tpu.dma_semaphore, #tpu.memory_space<semaphore_mem>>
        %dma_start3A_70 = arith.constant 0 : i32
        %dma_start3A_71 = tpu.memref_slice %arg5[%arg0, %multiple_of3A, %dma_start3A_70] : memref<2x10000x128xf32, #tpu.memory_space<hbm>> -> memref<1x624x128xf32, #tpu.memory_space<hbm>>
        %dma_start3A_72 = tpu.memref_squeeze %dma_start3A_71 : memref<1x624x128xf32, #tpu.memory_space<hbm>> -> memref<624x128xf32, #tpu.memory_space<hbm>>
        %dma_start3A_73 = arith.constant 0 : i32
        %dma_start3A_74 = tpu.memref_slice %arg10[%multiple_of3A, %dma_start3A_73] : memref<10000x128xf32, #tpu.memory_space<vmem_shared>> -> memref<624x128xf32, #tpu.memory_space<vmem_shared>>
        tpu.enqueue_dma source(%dma_start3A_74 : memref<624x128xf32, #tpu.memory_space<vmem_shared>>) target(%dma_start3A_72 : memref<624x128xf32, #tpu.memory_space<hbm>>) target_semaphore(%run_scoped3A : memref<!tpu.dma_semaphore, #tpu.memory_space<semaphore_mem>>)
        %dma_wait3A_75 = arith.constant 0 : i32
        %dma_wait3A_76 = tpu.memref_slice %arg5[%arg0, %multiple_of3A, %dma_wait3A_75] : memref<2x10000x128xf32, #tpu.memory_space<hbm>> -> memref<1x624x128xf32, #tpu.memory_space<hbm>>
        %dma_wait3A_77 = tpu.memref_squeeze %dma_wait3A_76 : memref<1x624x128xf32, #tpu.memory_space<hbm>> -> memref<624x128xf32, #tpu.memory_space<hbm>>
        %dma_wait3A_78 = arith.constant 0 : i32
        %dma_wait3A_79 = tpu.memref_slice %arg10[%multiple_of3A, %dma_wait3A_78] : memref<10000x128xf32, #tpu.memory_space<vmem_shared>> -> memref<624x128xf32, #tpu.memory_space<vmem_shared>>
        tpu.wait_dma2 semaphore(%run_scoped3A : memref<!tpu.dma_semaphore, #tpu.memory_space<semaphore_mem>>) src(%dma_wait3A_79 : memref<624x128xf32, #tpu.memory_space<vmem_shared>>) dst(%dma_wait3A_77 : memref<624x128xf32, #tpu.memory_space<hbm>>)
        tpu.yield
      }) : () -> ()
    } else {
    }
    %eq3A_63 = arith.constant 15 : i32
    %eq3A_64 = arith.cmpi eq, %arg1, %eq3A_63 : i32
    %convert_element_type3A_65 = arith.extui %eq3A_64 : i1 to i32
    %cond3A_66 = arith.constant 0 : i32
    %cond3A_67 = arith.cmpi ne, %convert_element_type3A_65, %cond3A_66 : i32
    scf.if %cond3A_67 {
      "tpu.region"() ({
        %run_scoped3A = tpu.sem_alloc : memref<!tpu.dma_semaphore, #tpu.memory_space<semaphore_mem>>
        %dma_start3A_68 = arith.constant 9360 : i32
        %dma_start3A_69 = arith.constant 0 : i32
        %dma_start3A_70 = tpu.memref_slice %arg5[%arg0, %dma_start3A_68, %dma_start3A_69] : memref<2x10000x128xf32, #tpu.memory_space<hbm>> -> memref<1x640x128xf32, #tpu.memory_space<hbm>>
        %dma_start3A_71 = tpu.memref_squeeze %dma_start3A_70 : memref<1x640x128xf32, #tpu.memory_space<hbm>> -> memref<640x128xf32, #tpu.memory_space<hbm>>
        %dma_start3A_72 = arith.constant 9360 : i32
        %dma_start3A_73 = arith.constant 0 : i32
        %dma_start3A_74 = tpu.memref_slice %arg10[%dma_start3A_72, %dma_start3A_73] : memref<10000x128xf32, #tpu.memory_space<vmem_shared>> -> memref<640x128xf32, #tpu.memory_space<vmem_shared>>
        tpu.enqueue_dma source(%dma_start3A_74 : memref<640x128xf32, #tpu.memory_space<vmem_shared>>) target(%dma_start3A_71 : memref<640x128xf32, #tpu.memory_space<hbm>>) target_semaphore(%run_scoped3A : memref<!tpu.dma_semaphore, #tpu.memory_space<semaphore_mem>>)
        %dma_wait3A_75 = arith.constant 9360 : i32
        %dma_wait3A_76 = arith.constant 0 : i32
        %dma_wait3A_77 = tpu.memref_slice %arg5[%arg0, %dma_wait3A_75, %dma_wait3A_76] : memref<2x10000x128xf32, #tpu.memory_space<hbm>> -> memref<1x640x128xf32, #tpu.memory_space<hbm>>
        %dma_wait3A_78 = tpu.memref_squeeze %dma_wait3A_77 : memref<1x640x128xf32, #tpu.memory_space<hbm>> -> memref<640x128xf32, #tpu.memory_space<hbm>>
        %dma_wait3A_79 = arith.constant 9360 : i32
        %dma_wait3A_80 = arith.constant 0 : i32
        %dma_wait3A_81 = tpu.memref_slice %arg10[%dma_wait3A_79, %dma_wait3A_80] : memref<10000x128xf32, #tpu.memory_space<vmem_shared>> -> memref<640x128xf32, #tpu.memory_space<vmem_shared>>
        tpu.wait_dma2 semaphore(%run_scoped3A : memref<!tpu.dma_semaphore, #tpu.memory_space<semaphore_mem>>) src(%dma_wait3A_81 : memref<640x128xf32, #tpu.memory_space<vmem_shared>>) dst(%dma_wait3A_78 : memref<640x128xf32, #tpu.memory_space<hbm>>)
        tpu.yield
      }) : () -> ()
    } else {
    }
    return
  }
}

#map = affine_map<(d0, d1) -> (0, 0, 0)>
#map1 = affine_map<(d0, d1) -> (0, 0)>
module attributes {stable_mosaic.version = 14 : i64} {
  func.func @_degree_body(%arg0: i32, %arg1: i32, %arg2: memref<32x80x128xi32, #tpu.memory_space<hbm>>, %arg3: memref<640x16xf32, #tpu.memory_space<hbm>>, %arg4: memref<2x10000x16xf32, #tpu.memory_space<hbm>>, %arg5: memref<80x128xi32, #tpu.memory_space<vmem>>, %arg6: memref<128x16xf32, #tpu.memory_space<vmem>>, %arg7: memref<10008x16xf32, #tpu.memory_space<vmem_shared>>, %arg8: memref<!tpu.dma_semaphore, #tpu.memory_space<semaphore_mem>>) attributes {dimension_semantics = [#tpu.dimension_semantics<core_parallel>, #tpu.dimension_semantics<subcore_parallel>], iteration_bounds = array<i64: 2, 16>, scalar_prefetch = 0 : i64, scratch_operands = 4 : i64, tpu.core_type = #tpu.core_type<sc_vector_subcore>, window_params = [{transform_indices = #map}, {transform_indices = #map1}, {transform_indices = #map}]} {
    %mul3A = arith.constant 16 : i32
    %mul3A_0 = arith.muli %arg0, %mul3A : i32
    %add3A = arith.addi %mul3A_0, %arg1 : i32
    %lt3A = arith.constant 15 : i32
    %lt3A_1 = arith.cmpi slt, %arg1, %lt3A : i32
    %convert_element_type3A = arith.extui %lt3A_1 : i1 to i32
    %cond3A = arith.constant 0 : i32
    %cond3A_2 = arith.cmpi ne, %convert_element_type3A, %cond3A : i32
    scf.if %cond3A_2 {
      %mul3A_34 = arith.constant 624 : i32
      %mul3A_35 = arith.muli %arg1, %mul3A_34 : i32
      %multiple_of3A = tpu.assume_multiple %mul3A_35, 8 : i32
      "tpu.region"() ({
        %run_scoped3A = tpu.sem_alloc : memref<!tpu.dma_semaphore, #tpu.memory_space<semaphore_mem>>
        %dma_start3A_36 = arith.constant 0 : i32
        %dma_start3A_37 = tpu.memref_slice %arg7[%multiple_of3A, %dma_start3A_36] : memref<10008x16xf32, #tpu.memory_space<vmem_shared>> -> memref<624x16xf32, #tpu.memory_space<vmem_shared>>
        %dma_start3A_38 = arith.constant 0 : i32
        %dma_start3A_39 = arith.constant 0 : i32
        %dma_start3A_40 = tpu.memref_slice %arg3[%dma_start3A_38, %dma_start3A_39] : memref<640x16xf32, #tpu.memory_space<hbm>> -> memref<624x16xf32, #tpu.memory_space<hbm>>
        tpu.enqueue_dma source(%dma_start3A_40 : memref<624x16xf32, #tpu.memory_space<hbm>>) target(%dma_start3A_37 : memref<624x16xf32, #tpu.memory_space<vmem_shared>>) target_semaphore(%run_scoped3A : memref<!tpu.dma_semaphore, #tpu.memory_space<semaphore_mem>>)
        %dma_wait3A_41 = arith.constant 0 : i32
        %dma_wait3A_42 = tpu.memref_slice %arg7[%multiple_of3A, %dma_wait3A_41] : memref<10008x16xf32, #tpu.memory_space<vmem_shared>> -> memref<624x16xf32, #tpu.memory_space<vmem_shared>>
        %dma_wait3A_43 = arith.constant 0 : i32
        %dma_wait3A_44 = arith.constant 0 : i32
        %dma_wait3A_45 = tpu.memref_slice %arg3[%dma_wait3A_43, %dma_wait3A_44] : memref<640x16xf32, #tpu.memory_space<hbm>> -> memref<624x16xf32, #tpu.memory_space<hbm>>
        tpu.wait_dma2 semaphore(%run_scoped3A : memref<!tpu.dma_semaphore, #tpu.memory_space<semaphore_mem>>) src(%dma_wait3A_45 : memref<624x16xf32, #tpu.memory_space<hbm>>) dst(%dma_wait3A_42 : memref<624x16xf32, #tpu.memory_space<vmem_shared>>)
        tpu.yield
      }) : () -> ()
    } else {
    }
    %eq3A = arith.constant 15 : i32
    %eq3A_3 = arith.cmpi eq, %arg1, %eq3A : i32
    %convert_element_type3A_4 = arith.extui %eq3A_3 : i1 to i32
    %cond3A_5 = arith.constant 0 : i32
    %cond3A_6 = arith.cmpi ne, %convert_element_type3A_4, %cond3A_5 : i32
    scf.if %cond3A_6 {
      "tpu.region"() ({
        %run_scoped3A = tpu.sem_alloc : memref<!tpu.dma_semaphore, #tpu.memory_space<semaphore_mem>>
        %dma_start3A_34 = arith.constant 9360 : i32
        %dma_start3A_35 = arith.constant 0 : i32
        %dma_start3A_36 = tpu.memref_slice %arg7[%dma_start3A_34, %dma_start3A_35] : memref<10008x16xf32, #tpu.memory_space<vmem_shared>> -> memref<640x16xf32, #tpu.memory_space<vmem_shared>>
        %dma_start3A_37 = arith.constant 0 : i32
        %dma_start3A_38 = arith.constant 0 : i32
        %dma_start3A_39 = tpu.memref_slice %arg3[%dma_start3A_37, %dma_start3A_38] : memref<640x16xf32, #tpu.memory_space<hbm>> -> memref<640x16xf32, #tpu.memory_space<hbm>>
        tpu.enqueue_dma source(%dma_start3A_39 : memref<640x16xf32, #tpu.memory_space<hbm>>) target(%dma_start3A_36 : memref<640x16xf32, #tpu.memory_space<vmem_shared>>) target_semaphore(%run_scoped3A : memref<!tpu.dma_semaphore, #tpu.memory_space<semaphore_mem>>)
        %dma_wait3A_40 = arith.constant 9360 : i32
        %dma_wait3A_41 = arith.constant 0 : i32
        %dma_wait3A_42 = tpu.memref_slice %arg7[%dma_wait3A_40, %dma_wait3A_41] : memref<10008x16xf32, #tpu.memory_space<vmem_shared>> -> memref<640x16xf32, #tpu.memory_space<vmem_shared>>
        %dma_wait3A_43 = arith.constant 0 : i32
        %dma_wait3A_44 = arith.constant 0 : i32
        %dma_wait3A_45 = tpu.memref_slice %arg3[%dma_wait3A_43, %dma_wait3A_44] : memref<640x16xf32, #tpu.memory_space<hbm>> -> memref<640x16xf32, #tpu.memory_space<hbm>>
        tpu.wait_dma2 semaphore(%run_scoped3A : memref<!tpu.dma_semaphore, #tpu.memory_space<semaphore_mem>>) src(%dma_wait3A_45 : memref<640x16xf32, #tpu.memory_space<hbm>>) dst(%dma_wait3A_42 : memref<640x16xf32, #tpu.memory_space<vmem_shared>>)
        tpu.yield
      }) : () -> ()
    } else {
    }
    "tpu.region"() ({
      %run_scoped3A = tpu.sem_alloc : memref<!tpu.dma_semaphore, #tpu.memory_space<semaphore_mem>>
      %dma_start3A_34 = arith.constant 0 : i32
      %dma_start3A_35 = arith.constant 0 : i32
      %dma_start3A_36 = tpu.memref_slice %arg3[%dma_start3A_34, %dma_start3A_35] : memref<640x16xf32, #tpu.memory_space<hbm>> -> memref<128x16xf32, #tpu.memory_space<hbm>>
      %dma_start3A_37 = arith.constant 0 : i32
      %dma_start3A_38 = arith.constant 0 : i32
      %dma_start3A_39 = tpu.memref_slice %arg3[%dma_start3A_37, %dma_start3A_38] : memref<640x16xf32, #tpu.memory_space<hbm>> -> memref<128x16xf32, #tpu.memory_space<hbm>>
      tpu.enqueue_dma source(%dma_start3A_39 : memref<128x16xf32, #tpu.memory_space<hbm>>) target(%arg6 : memref<128x16xf32, #tpu.memory_space<vmem>>) target_semaphore(%run_scoped3A : memref<!tpu.dma_semaphore, #tpu.memory_space<semaphore_mem>>)
      %dma_wait3A_40 = arith.constant 0 : i32
      %dma_wait3A_41 = arith.constant 0 : i32
      %dma_wait3A_42 = tpu.memref_slice %arg3[%dma_wait3A_40, %dma_wait3A_41] : memref<640x16xf32, #tpu.memory_space<hbm>> -> memref<128x16xf32, #tpu.memory_space<hbm>>
      %dma_wait3A_43 = arith.constant 0 : i32
      %dma_wait3A_44 = arith.constant 0 : i32
      %dma_wait3A_45 = tpu.memref_slice %arg3[%dma_wait3A_43, %dma_wait3A_44] : memref<640x16xf32, #tpu.memory_space<hbm>> -> memref<128x16xf32, #tpu.memory_space<hbm>>
      tpu.wait_dma2 semaphore(%run_scoped3A : memref<!tpu.dma_semaphore, #tpu.memory_space<semaphore_mem>>) src(%dma_wait3A_45 : memref<128x16xf32, #tpu.memory_space<hbm>>) dst(%arg6 : memref<128x16xf32, #tpu.memory_space<vmem>>)
      tpu.yield
    }) : () -> ()
    "tpu.region"() ({
      %run_scoped3A = tpu.sem_alloc : memref<!tpu.dma_semaphore, #tpu.memory_space<semaphore_mem>>
      %dma_start3A_34 = arith.constant 0 : i32
      %dma_start3A_35 = arith.constant 0 : i32
      %dma_start3A_36 = tpu.memref_slice %arg2[%add3A, %dma_start3A_34, %dma_start3A_35] : memref<32x80x128xi32, #tpu.memory_space<hbm>> -> memref<1x80x128xi32, #tpu.memory_space<hbm>>
      %dma_start3A_37 = tpu.memref_squeeze %dma_start3A_36 : memref<1x80x128xi32, #tpu.memory_space<hbm>> -> memref<80x128xi32, #tpu.memory_space<hbm>>
      %dma_start3A_38 = arith.constant 0 : i32
      %dma_start3A_39 = arith.constant 0 : i32
      %dma_start3A_40 = tpu.memref_slice %arg2[%add3A, %dma_start3A_38, %dma_start3A_39] : memref<32x80x128xi32, #tpu.memory_space<hbm>> -> memref<1x80x128xi32, #tpu.memory_space<hbm>>
      %dma_start3A_41 = tpu.memref_squeeze %dma_start3A_40 : memref<1x80x128xi32, #tpu.memory_space<hbm>> -> memref<80x128xi32, #tpu.memory_space<hbm>>
      tpu.enqueue_dma source(%dma_start3A_41 : memref<80x128xi32, #tpu.memory_space<hbm>>) target(%arg5 : memref<80x128xi32, #tpu.memory_space<vmem>>) target_semaphore(%run_scoped3A : memref<!tpu.dma_semaphore, #tpu.memory_space<semaphore_mem>>)
      %dma_wait3A_42 = arith.constant 0 : i32
      %dma_wait3A_43 = arith.constant 0 : i32
      %dma_wait3A_44 = tpu.memref_slice %arg2[%add3A, %dma_wait3A_42, %dma_wait3A_43] : memref<32x80x128xi32, #tpu.memory_space<hbm>> -> memref<1x80x128xi32, #tpu.memory_space<hbm>>
      %dma_wait3A_45 = tpu.memref_squeeze %dma_wait3A_44 : memref<1x80x128xi32, #tpu.memory_space<hbm>> -> memref<80x128xi32, #tpu.memory_space<hbm>>
      %dma_wait3A_46 = arith.constant 0 : i32
      %dma_wait3A_47 = arith.constant 0 : i32
      %dma_wait3A_48 = tpu.memref_slice %arg2[%add3A, %dma_wait3A_46, %dma_wait3A_47] : memref<32x80x128xi32, #tpu.memory_space<hbm>> -> memref<1x80x128xi32, #tpu.memory_space<hbm>>
      %dma_wait3A_49 = tpu.memref_squeeze %dma_wait3A_48 : memref<1x80x128xi32, #tpu.memory_space<hbm>> -> memref<80x128xi32, #tpu.memory_space<hbm>>
      tpu.wait_dma2 semaphore(%run_scoped3A : memref<!tpu.dma_semaphore, #tpu.memory_space<semaphore_mem>>) src(%dma_wait3A_49 : memref<80x128xi32, #tpu.memory_space<hbm>>) dst(%arg5 : memref<80x128xi32, #tpu.memory_space<vmem>>)
      tpu.yield
    }) : () -> ()
    %barrier3A = arith.constant 0 : index
    tpu.barrier barrier_id(%barrier3A)
    %dma_start3A = arith.constant 0 : i32
    %dma_start3A_7 = arith.constant 0 : i32
    %dma_start3A_8 = tpu.memref_slice %arg5[%dma_start3A, %dma_start3A_7] : memref<80x128xi32, #tpu.memory_space<vmem>> -> memref<1x128xi32, #tpu.memory_space<vmem>>
    %dma_start3A_9 = tpu.memref_squeeze %dma_start3A_8 : memref<1x128xi32, #tpu.memory_space<vmem>> -> memref<128xi32, #tpu.memory_space<vmem>>
    %dma_start3A_10 = arith.constant 0 : i32
    %dma_start3A_11 = arith.constant 0 : i32
    %dma_start3A_12 = tpu.memref_slice %arg7[%dma_start3A_10, %dma_start3A_11] : memref<10008x16xf32, #tpu.memory_space<vmem_shared>> -> memref<10008x16xf32, #tpu.memory_space<vmem_shared>>
    tpu.enqueue_indirect_dma source(%arg6 : memref<128x16xf32, #tpu.memory_space<vmem>>) target(%dma_start3A_12 : memref<10008x16xf32, #tpu.memory_space<vmem_shared>>) offsets(%dma_start3A_9 : memref<128xi32, #tpu.memory_space<vmem>>) semaphore(%arg8 : memref<!tpu.dma_semaphore, #tpu.memory_space<semaphore_mem>>) {add = true}
    %scan3A = arith.constant 0 : i32
    %scan3A_13 = arith.constant 79 : i32
    %scan3A_14 = arith.addi %scan3A, %scan3A_13 : i32
    %scan3A_15 = arith.constant 1 : i32
    scf.for %scan3A_34 = %scan3A to %scan3A_14 step %scan3A_15  : i32 {
      %mul3A_35 = arith.constant 1 : i32
      %mul3A_36 = arith.muli %scan3A_34, %mul3A_35 : i32
      %add3A_37 = arith.constant 1 : i32
      %add3A_38 = arith.addi %add3A_37, %mul3A_36 : i32
      %dma_start3A_39 = arith.constant 0 : i32
      %dma_start3A_40 = tpu.memref_slice %arg5[%add3A_38, %dma_start3A_39] : memref<80x128xi32, #tpu.memory_space<vmem>> -> memref<1x128xi32, #tpu.memory_space<vmem>>
      %dma_start3A_41 = tpu.memref_squeeze %dma_start3A_40 : memref<1x128xi32, #tpu.memory_space<vmem>> -> memref<128xi32, #tpu.memory_space<vmem>>
      %dma_start3A_42 = arith.constant 0 : i32
      %dma_start3A_43 = arith.constant 0 : i32
      %dma_start3A_44 = tpu.memref_slice %arg7[%dma_start3A_42, %dma_start3A_43] : memref<10008x16xf32, #tpu.memory_space<vmem_shared>> -> memref<10008x16xf32, #tpu.memory_space<vmem_shared>>
      tpu.enqueue_indirect_dma source(%arg6 : memref<128x16xf32, #tpu.memory_space<vmem>>) target(%dma_start3A_44 : memref<10008x16xf32, #tpu.memory_space<vmem_shared>>) offsets(%dma_start3A_41 : memref<128xi32, #tpu.memory_space<vmem>>) semaphore(%arg8 : memref<!tpu.dma_semaphore, #tpu.memory_space<semaphore_mem>>) {add = true}
      %sub3A = arith.constant 1 : i32
      %sub3A_45 = arith.subi %add3A_38, %sub3A : i32
      %dma_wait3A_46 = arith.constant 0 : i32
      %dma_wait3A_47 = tpu.memref_slice %arg5[%sub3A_45, %dma_wait3A_46] : memref<80x128xi32, #tpu.memory_space<vmem>> -> memref<1x128xi32, #tpu.memory_space<vmem>>
      %dma_wait3A_48 = tpu.memref_squeeze %dma_wait3A_47 : memref<1x128xi32, #tpu.memory_space<vmem>> -> memref<128xi32, #tpu.memory_space<vmem>>
      %dma_wait3A_49 = arith.constant 0 : i32
      %dma_wait3A_50 = arith.constant 0 : i32
      %dma_wait3A_51 = tpu.memref_slice %arg7[%dma_wait3A_49, %dma_wait3A_50] : memref<10008x16xf32, #tpu.memory_space<vmem_shared>> -> memref<10008x16xf32, #tpu.memory_space<vmem_shared>>
      tpu.wait_indirect_dma semaphore(%arg8 : memref<!tpu.dma_semaphore, #tpu.memory_space<semaphore_mem>>) src(%arg6 : memref<128x16xf32, #tpu.memory_space<vmem>>) dst(%dma_wait3A_51 : memref<10008x16xf32, #tpu.memory_space<vmem_shared>>)
    }
    %scan3A_16 = arith.constant 79 : i32
    %dma_wait3A = arith.constant 79 : i32
    %dma_wait3A_17 = arith.constant 0 : i32
    %dma_wait3A_18 = tpu.memref_slice %arg5[%dma_wait3A, %dma_wait3A_17] : memref<80x128xi32, #tpu.memory_space<vmem>> -> memref<1x128xi32, #tpu.memory_space<vmem>>
    %dma_wait3A_19 = tpu.memref_squeeze %dma_wait3A_18 : memref<1x128xi32, #tpu.memory_space<vmem>> -> memref<128xi32, #tpu.memory_space<vmem>>
    %dma_wait3A_20 = arith.constant 0 : i32
    %dma_wait3A_21 = arith.constant 0 : i32
    %dma_wait3A_22 = tpu.memref_slice %arg7[%dma_wait3A_20, %dma_wait3A_21] : memref<10008x16xf32, #tpu.memory_space<vmem_shared>> -> memref<10008x16xf32, #tpu.memory_space<vmem_shared>>
    tpu.wait_indirect_dma semaphore(%arg8 : memref<!tpu.dma_semaphore, #tpu.memory_space<semaphore_mem>>) src(%arg6 : memref<128x16xf32, #tpu.memory_space<vmem>>) dst(%dma_wait3A_22 : memref<10008x16xf32, #tpu.memory_space<vmem_shared>>)
    %barrier3A_23 = arith.constant 0 : index
    tpu.barrier barrier_id(%barrier3A_23)
    %lt3A_24 = arith.constant 15 : i32
    %lt3A_25 = arith.cmpi slt, %arg1, %lt3A_24 : i32
    %convert_element_type3A_26 = arith.extui %lt3A_25 : i1 to i32
    %cond3A_27 = arith.constant 0 : i32
    %cond3A_28 = arith.cmpi ne, %convert_element_type3A_26, %cond3A_27 : i32
    scf.if %cond3A_28 {
      %mul3A_34 = arith.constant 624 : i32
      %mul3A_35 = arith.muli %arg1, %mul3A_34 : i32
      %multiple_of3A = tpu.assume_multiple %mul3A_35, 8 : i32
      "tpu.region"() ({
        %run_scoped3A = tpu.sem_alloc : memref<!tpu.dma_semaphore, #tpu.memory_space<semaphore_mem>>
        %dma_start3A_36 = arith.constant 0 : i32
        %dma_start3A_37 = tpu.memref_slice %arg4[%arg0, %multiple_of3A, %dma_start3A_36] : memref<2x10000x16xf32, #tpu.memory_space<hbm>> -> memref<1x624x16xf32, #tpu.memory_space<hbm>>
        %dma_start3A_38 = tpu.memref_squeeze %dma_start3A_37 : memref<1x624x16xf32, #tpu.memory_space<hbm>> -> memref<624x16xf32, #tpu.memory_space<hbm>>
        %dma_start3A_39 = arith.constant 0 : i32
        %dma_start3A_40 = tpu.memref_slice %arg7[%multiple_of3A, %dma_start3A_39] : memref<10008x16xf32, #tpu.memory_space<vmem_shared>> -> memref<624x16xf32, #tpu.memory_space<vmem_shared>>
        tpu.enqueue_dma source(%dma_start3A_40 : memref<624x16xf32, #tpu.memory_space<vmem_shared>>) target(%dma_start3A_38 : memref<624x16xf32, #tpu.memory_space<hbm>>) target_semaphore(%run_scoped3A : memref<!tpu.dma_semaphore, #tpu.memory_space<semaphore_mem>>)
        %dma_wait3A_41 = arith.constant 0 : i32
        %dma_wait3A_42 = tpu.memref_slice %arg4[%arg0, %multiple_of3A, %dma_wait3A_41] : memref<2x10000x16xf32, #tpu.memory_space<hbm>> -> memref<1x624x16xf32, #tpu.memory_space<hbm>>
        %dma_wait3A_43 = tpu.memref_squeeze %dma_wait3A_42 : memref<1x624x16xf32, #tpu.memory_space<hbm>> -> memref<624x16xf32, #tpu.memory_space<hbm>>
        %dma_wait3A_44 = arith.constant 0 : i32
        %dma_wait3A_45 = tpu.memref_slice %arg7[%multiple_of3A, %dma_wait3A_44] : memref<10008x16xf32, #tpu.memory_space<vmem_shared>> -> memref<624x16xf32, #tpu.memory_space<vmem_shared>>
        tpu.wait_dma2 semaphore(%run_scoped3A : memref<!tpu.dma_semaphore, #tpu.memory_space<semaphore_mem>>) src(%dma_wait3A_45 : memref<624x16xf32, #tpu.memory_space<vmem_shared>>) dst(%dma_wait3A_43 : memref<624x16xf32, #tpu.memory_space<hbm>>)
        tpu.yield
      }) : () -> ()
    } else {
    }
    %eq3A_29 = arith.constant 15 : i32
    %eq3A_30 = arith.cmpi eq, %arg1, %eq3A_29 : i32
    %convert_element_type3A_31 = arith.extui %eq3A_30 : i1 to i32
    %cond3A_32 = arith.constant 0 : i32
    %cond3A_33 = arith.cmpi ne, %convert_element_type3A_31, %cond3A_32 : i32
    scf.if %cond3A_33 {
      "tpu.region"() ({
        %run_scoped3A = tpu.sem_alloc : memref<!tpu.dma_semaphore, #tpu.memory_space<semaphore_mem>>
        %dma_start3A_34 = arith.constant 9360 : i32
        %dma_start3A_35 = arith.constant 0 : i32
        %dma_start3A_36 = tpu.memref_slice %arg4[%arg0, %dma_start3A_34, %dma_start3A_35] : memref<2x10000x16xf32, #tpu.memory_space<hbm>> -> memref<1x640x16xf32, #tpu.memory_space<hbm>>
        %dma_start3A_37 = tpu.memref_squeeze %dma_start3A_36 : memref<1x640x16xf32, #tpu.memory_space<hbm>> -> memref<640x16xf32, #tpu.memory_space<hbm>>
        %dma_start3A_38 = arith.constant 9360 : i32
        %dma_start3A_39 = arith.constant 0 : i32
        %dma_start3A_40 = tpu.memref_slice %arg7[%dma_start3A_38, %dma_start3A_39] : memref<10008x16xf32, #tpu.memory_space<vmem_shared>> -> memref<640x16xf32, #tpu.memory_space<vmem_shared>>
        tpu.enqueue_dma source(%dma_start3A_40 : memref<640x16xf32, #tpu.memory_space<vmem_shared>>) target(%dma_start3A_37 : memref<640x16xf32, #tpu.memory_space<hbm>>) target_semaphore(%run_scoped3A : memref<!tpu.dma_semaphore, #tpu.memory_space<semaphore_mem>>)
        %dma_wait3A_41 = arith.constant 9360 : i32
        %dma_wait3A_42 = arith.constant 0 : i32
        %dma_wait3A_43 = tpu.memref_slice %arg4[%arg0, %dma_wait3A_41, %dma_wait3A_42] : memref<2x10000x16xf32, #tpu.memory_space<hbm>> -> memref<1x640x16xf32, #tpu.memory_space<hbm>>
        %dma_wait3A_44 = tpu.memref_squeeze %dma_wait3A_43 : memref<1x640x16xf32, #tpu.memory_space<hbm>> -> memref<640x16xf32, #tpu.memory_space<hbm>>
        %dma_wait3A_45 = arith.constant 9360 : i32
        %dma_wait3A_46 = arith.constant 0 : i32
        %dma_wait3A_47 = tpu.memref_slice %arg7[%dma_wait3A_45, %dma_wait3A_46] : memref<10008x16xf32, #tpu.memory_space<vmem_shared>> -> memref<640x16xf32, #tpu.memory_space<vmem_shared>>
        tpu.wait_dma2 semaphore(%run_scoped3A : memref<!tpu.dma_semaphore, #tpu.memory_space<semaphore_mem>>) src(%dma_wait3A_47 : memref<640x16xf32, #tpu.memory_space<vmem_shared>>) dst(%dma_wait3A_44 : memref<640x16xf32, #tpu.memory_space<hbm>>)
        tpu.yield
      }) : () -> ()
    } else {
    }
    return
  }
}

#map = affine_map<(d0, d1) -> (0, 0)>
#map1 = affine_map<(d0, d1) -> (0, 0, 0)>
module attributes {stable_mosaic.version = 14 : i64} {
  func.func @_edge_body(%arg0: i32, %arg1: i32, %arg2: memref<10008x128xf32, #tpu.memory_space<hbm>>, %arg3: memref<32x10080xi32, #tpu.memory_space<hbm>>, %arg4: memref<32x90x112xi32, #tpu.memory_space<hbm>>, %arg5: memref<2x10000x128xf32, #tpu.memory_space<hbm>>, %arg6: memref<10080xi32, #tpu.memory_space<vmem>>, %arg7: memref<90x112xi32, #tpu.memory_space<vmem>>, %arg8: memref<112x128xf32, #tpu.memory_space<vmem>>, %arg9: memref<112x128xf32, #tpu.memory_space<vmem>>, %arg10: memref<10000x128xf32, #tpu.memory_space<vmem_shared>>, %arg11: memref<!tpu.dma_semaphore, #tpu.memory_space<semaphore_mem>>, %arg12: memref<!tpu.dma_semaphore, #tpu.memory_space<semaphore_mem>>, %arg13: memref<!tpu.dma_semaphore, #tpu.memory_space<semaphore_mem>>, %arg14: memref<!tpu.dma_semaphore, #tpu.memory_space<semaphore_mem>>) attributes {dimension_semantics = [#tpu.dimension_semantics<core_parallel>, #tpu.dimension_semantics<subcore_parallel>], iteration_bounds = array<i64: 2, 16>, scalar_prefetch = 0 : i64, scratch_operands = 9 : i64, tpu.core_type = #tpu.core_type<sc_vector_subcore>, window_params = [{transform_indices = #map}, {transform_indices = #map}, {transform_indices = #map1}, {transform_indices = #map1}]} {
    %mul3A = arith.constant 16 : i32
    %mul3A_0 = arith.muli %arg0, %mul3A : i32
    %add3A = arith.addi %mul3A_0, %arg1 : i32
    %lt3A = arith.constant 15 : i32
    %lt3A_1 = arith.cmpi slt, %arg1, %lt3A : i32
    %convert_element_type3A = arith.extui %lt3A_1 : i1 to i32
    %cond3A = arith.constant 0 : i32
    %cond3A_2 = arith.cmpi ne, %convert_element_type3A, %cond3A : i32
    scf.if %cond3A_2 {
      %mul3A_68 = arith.constant 624 : i32
      %mul3A_69 = arith.muli %arg1, %mul3A_68 : i32
      %multiple_of3A = tpu.assume_multiple %mul3A_69, 8 : i32
      "tpu.region"() ({
        %run_scoped3A = tpu.sem_alloc : memref<!tpu.dma_semaphore, #tpu.memory_space<semaphore_mem>>
        %dma_start3A_70 = arith.constant 0 : i32
        %dma_start3A_71 = tpu.memref_slice %arg10[%multiple_of3A, %dma_start3A_70] : memref<10000x128xf32, #tpu.memory_space<vmem_shared>> -> memref<624x128xf32, #tpu.memory_space<vmem_shared>>
        %dma_start3A_72 = arith.constant 0 : i32
        %dma_start3A_73 = tpu.memref_slice %arg2[%multiple_of3A, %dma_start3A_72] : memref<10008x128xf32, #tpu.memory_space<hbm>> -> memref<624x128xf32, #tpu.memory_space<hbm>>
        tpu.enqueue_dma source(%dma_start3A_73 : memref<624x128xf32, #tpu.memory_space<hbm>>) target(%dma_start3A_71 : memref<624x128xf32, #tpu.memory_space<vmem_shared>>) target_semaphore(%run_scoped3A : memref<!tpu.dma_semaphore, #tpu.memory_space<semaphore_mem>>)
        %dma_wait3A_74 = arith.constant 0 : i32
        %dma_wait3A_75 = tpu.memref_slice %arg10[%multiple_of3A, %dma_wait3A_74] : memref<10000x128xf32, #tpu.memory_space<vmem_shared>> -> memref<624x128xf32, #tpu.memory_space<vmem_shared>>
        %dma_wait3A_76 = arith.constant 0 : i32
        %dma_wait3A_77 = tpu.memref_slice %arg2[%multiple_of3A, %dma_wait3A_76] : memref<10008x128xf32, #tpu.memory_space<hbm>> -> memref<624x128xf32, #tpu.memory_space<hbm>>
        tpu.wait_dma2 semaphore(%run_scoped3A : memref<!tpu.dma_semaphore, #tpu.memory_space<semaphore_mem>>) src(%dma_wait3A_77 : memref<624x128xf32, #tpu.memory_space<hbm>>) dst(%dma_wait3A_75 : memref<624x128xf32, #tpu.memory_space<vmem_shared>>)
        tpu.yield
      }) : () -> ()
    } else {
    }
    %eq3A = arith.constant 15 : i32
    %eq3A_3 = arith.cmpi eq, %arg1, %eq3A : i32
    %convert_element_type3A_4 = arith.extui %eq3A_3 : i1 to i32
    %cond3A_5 = arith.constant 0 : i32
    %cond3A_6 = arith.cmpi ne, %convert_element_type3A_4, %cond3A_5 : i32
    scf.if %cond3A_6 {
      "tpu.region"() ({
        %run_scoped3A = tpu.sem_alloc : memref<!tpu.dma_semaphore, #tpu.memory_space<semaphore_mem>>
        %dma_start3A_68 = arith.constant 9360 : i32
        %dma_start3A_69 = arith.constant 0 : i32
        %dma_start3A_70 = tpu.memref_slice %arg10[%dma_start3A_68, %dma_start3A_69] : memref<10000x128xf32, #tpu.memory_space<vmem_shared>> -> memref<640x128xf32, #tpu.memory_space<vmem_shared>>
        %dma_start3A_71 = arith.constant 9360 : i32
        %dma_start3A_72 = arith.constant 0 : i32
        %dma_start3A_73 = tpu.memref_slice %arg2[%dma_start3A_71, %dma_start3A_72] : memref<10008x128xf32, #tpu.memory_space<hbm>> -> memref<640x128xf32, #tpu.memory_space<hbm>>
        tpu.enqueue_dma source(%dma_start3A_73 : memref<640x128xf32, #tpu.memory_space<hbm>>) target(%dma_start3A_70 : memref<640x128xf32, #tpu.memory_space<vmem_shared>>) target_semaphore(%run_scoped3A : memref<!tpu.dma_semaphore, #tpu.memory_space<semaphore_mem>>)
        %dma_wait3A_74 = arith.constant 9360 : i32
        %dma_wait3A_75 = arith.constant 0 : i32
        %dma_wait3A_76 = tpu.memref_slice %arg10[%dma_wait3A_74, %dma_wait3A_75] : memref<10000x128xf32, #tpu.memory_space<vmem_shared>> -> memref<640x128xf32, #tpu.memory_space<vmem_shared>>
        %dma_wait3A_77 = arith.constant 9360 : i32
        %dma_wait3A_78 = arith.constant 0 : i32
        %dma_wait3A_79 = tpu.memref_slice %arg2[%dma_wait3A_77, %dma_wait3A_78] : memref<10008x128xf32, #tpu.memory_space<hbm>> -> memref<640x128xf32, #tpu.memory_space<hbm>>
        tpu.wait_dma2 semaphore(%run_scoped3A : memref<!tpu.dma_semaphore, #tpu.memory_space<semaphore_mem>>) src(%dma_wait3A_79 : memref<640x128xf32, #tpu.memory_space<hbm>>) dst(%dma_wait3A_76 : memref<640x128xf32, #tpu.memory_space<vmem_shared>>)
        tpu.yield
      }) : () -> ()
    } else {
    }
    "tpu.region"() ({
      %run_scoped3A = tpu.sem_alloc : memref<!tpu.dma_semaphore, #tpu.memory_space<semaphore_mem>>
      %dma_start3A_68 = arith.constant 0 : i32
      %dma_start3A_69 = tpu.memref_slice %arg3[%add3A, %dma_start3A_68] : memref<32x10080xi32, #tpu.memory_space<hbm>> -> memref<1x10080xi32, #tpu.memory_space<hbm>>
      %dma_start3A_70 = tpu.memref_squeeze %dma_start3A_69 : memref<1x10080xi32, #tpu.memory_space<hbm>> -> memref<10080xi32, #tpu.memory_space<hbm>>
      %dma_start3A_71 = arith.constant 0 : i32
      %dma_start3A_72 = tpu.memref_slice %arg3[%add3A, %dma_start3A_71] : memref<32x10080xi32, #tpu.memory_space<hbm>> -> memref<1x10080xi32, #tpu.memory_space<hbm>>
      %dma_start3A_73 = tpu.memref_squeeze %dma_start3A_72 : memref<1x10080xi32, #tpu.memory_space<hbm>> -> memref<10080xi32, #tpu.memory_space<hbm>>
      tpu.enqueue_dma source(%dma_start3A_73 : memref<10080xi32, #tpu.memory_space<hbm>>) target(%arg6 : memref<10080xi32, #tpu.memory_space<vmem>>) target_semaphore(%run_scoped3A : memref<!tpu.dma_semaphore, #tpu.memory_space<semaphore_mem>>)
      %dma_wait3A_74 = arith.constant 0 : i32
      %dma_wait3A_75 = tpu.memref_slice %arg3[%add3A, %dma_wait3A_74] : memref<32x10080xi32, #tpu.memory_space<hbm>> -> memref<1x10080xi32, #tpu.memory_space<hbm>>
      %dma_wait3A_76 = tpu.memref_squeeze %dma_wait3A_75 : memref<1x10080xi32, #tpu.memory_space<hbm>> -> memref<10080xi32, #tpu.memory_space<hbm>>
      %dma_wait3A_77 = arith.constant 0 : i32
      %dma_wait3A_78 = tpu.memref_slice %arg3[%add3A, %dma_wait3A_77] : memref<32x10080xi32, #tpu.memory_space<hbm>> -> memref<1x10080xi32, #tpu.memory_space<hbm>>
      %dma_wait3A_79 = tpu.memref_squeeze %dma_wait3A_78 : memref<1x10080xi32, #tpu.memory_space<hbm>> -> memref<10080xi32, #tpu.memory_space<hbm>>
      tpu.wait_dma2 semaphore(%run_scoped3A : memref<!tpu.dma_semaphore, #tpu.memory_space<semaphore_mem>>) src(%dma_wait3A_79 : memref<10080xi32, #tpu.memory_space<hbm>>) dst(%arg6 : memref<10080xi32, #tpu.memory_space<vmem>>)
      tpu.yield
    }) : () -> ()
    "tpu.region"() ({
      %run_scoped3A = tpu.sem_alloc : memref<!tpu.dma_semaphore, #tpu.memory_space<semaphore_mem>>
      %dma_start3A_68 = arith.constant 0 : i32
      %dma_start3A_69 = arith.constant 0 : i32
      %dma_start3A_70 = tpu.memref_slice %arg4[%add3A, %dma_start3A_68, %dma_start3A_69] : memref<32x90x112xi32, #tpu.memory_space<hbm>> -> memref<1x90x112xi32, #tpu.memory_space<hbm>>
      %dma_start3A_71 = tpu.memref_squeeze %dma_start3A_70 : memref<1x90x112xi32, #tpu.memory_space<hbm>> -> memref<90x112xi32, #tpu.memory_space<hbm>>
      %dma_start3A_72 = arith.constant 0 : i32
      %dma_start3A_73 = arith.constant 0 : i32
      %dma_start3A_74 = tpu.memref_slice %arg4[%add3A, %dma_start3A_72, %dma_start3A_73] : memref<32x90x112xi32, #tpu.memory_space<hbm>> -> memref<1x90x112xi32, #tpu.memory_space<hbm>>
      %dma_start3A_75 = tpu.memref_squeeze %dma_start3A_74 : memref<1x90x112xi32, #tpu.memory_space<hbm>> -> memref<90x112xi32, #tpu.memory_space<hbm>>
      tpu.enqueue_dma source(%dma_start3A_75 : memref<90x112xi32, #tpu.memory_space<hbm>>) target(%arg7 : memref<90x112xi32, #tpu.memory_space<vmem>>) target_semaphore(%run_scoped3A : memref<!tpu.dma_semaphore, #tpu.memory_space<semaphore_mem>>)
      %dma_wait3A_76 = arith.constant 0 : i32
      %dma_wait3A_77 = arith.constant 0 : i32
      %dma_wait3A_78 = tpu.memref_slice %arg4[%add3A, %dma_wait3A_76, %dma_wait3A_77] : memref<32x90x112xi32, #tpu.memory_space<hbm>> -> memref<1x90x112xi32, #tpu.memory_space<hbm>>
      %dma_wait3A_79 = tpu.memref_squeeze %dma_wait3A_78 : memref<1x90x112xi32, #tpu.memory_space<hbm>> -> memref<90x112xi32, #tpu.memory_space<hbm>>
      %dma_wait3A_80 = arith.constant 0 : i32
      %dma_wait3A_81 = arith.constant 0 : i32
      %dma_wait3A_82 = tpu.memref_slice %arg4[%add3A, %dma_wait3A_80, %dma_wait3A_81] : memref<32x90x112xi32, #tpu.memory_space<hbm>> -> memref<1x90x112xi32, #tpu.memory_space<hbm>>
      %dma_wait3A_83 = tpu.memref_squeeze %dma_wait3A_82 : memref<1x90x112xi32, #tpu.memory_space<hbm>> -> memref<90x112xi32, #tpu.memory_space<hbm>>
      tpu.wait_dma2 semaphore(%run_scoped3A : memref<!tpu.dma_semaphore, #tpu.memory_space<semaphore_mem>>) src(%dma_wait3A_83 : memref<90x112xi32, #tpu.memory_space<hbm>>) dst(%arg7 : memref<90x112xi32, #tpu.memory_space<vmem>>)
      tpu.yield
    }) : () -> ()
    %barrier3A = arith.constant 0 : index
    tpu.barrier barrier_id(%barrier3A)
    %dma_start3A = arith.constant 0 : i32
    %dma_start3A_7 = tpu.memref_slice %arg6[%dma_start3A] : memref<10080xi32, #tpu.memory_space<vmem>> -> memref<112xi32, #tpu.memory_space<vmem>>
    %dma_start3A_8 = arith.constant 0 : i32
    %dma_start3A_9 = arith.constant 0 : i32
    %dma_start3A_10 = tpu.memref_slice %arg2[%dma_start3A_8, %dma_start3A_9] : memref<10008x128xf32, #tpu.memory_space<hbm>> -> memref<10008x128xf32, #tpu.memory_space<hbm>>
    tpu.enqueue_indirect_dma source(%dma_start3A_10 : memref<10008x128xf32, #tpu.memory_space<hbm>>) target(%arg8 : memref<112x128xf32, #tpu.memory_space<vmem>>) offsets(%dma_start3A_7 : memref<112xi32, #tpu.memory_space<vmem>>) semaphore(%arg11 : memref<!tpu.dma_semaphore, #tpu.memory_space<semaphore_mem>>)
    %dma_wait3A = arith.constant 0 : i32
    %dma_wait3A_11 = tpu.memref_slice %arg6[%dma_wait3A] : memref<10080xi32, #tpu.memory_space<vmem>> -> memref<112xi32, #tpu.memory_space<vmem>>
    %dma_wait3A_12 = arith.constant 0 : i32
    %dma_wait3A_13 = arith.constant 0 : i32
    %dma_wait3A_14 = tpu.memref_slice %arg2[%dma_wait3A_12, %dma_wait3A_13] : memref<10008x128xf32, #tpu.memory_space<hbm>> -> memref<10008x128xf32, #tpu.memory_space<hbm>>
    tpu.wait_indirect_dma semaphore(%arg11 : memref<!tpu.dma_semaphore, #tpu.memory_space<semaphore_mem>>) src(%dma_wait3A_14 : memref<10008x128xf32, #tpu.memory_space<hbm>>) dst(%arg8 : memref<112x128xf32, #tpu.memory_space<vmem>>)
    %dma_start3A_15 = arith.constant 0 : i32
    %dma_start3A_16 = arith.constant 0 : i32
    %dma_start3A_17 = tpu.memref_slice %arg7[%dma_start3A_15, %dma_start3A_16] : memref<90x112xi32, #tpu.memory_space<vmem>> -> memref<1x112xi32, #tpu.memory_space<vmem>>
    %dma_start3A_18 = tpu.memref_squeeze %dma_start3A_17 : memref<1x112xi32, #tpu.memory_space<vmem>> -> memref<112xi32, #tpu.memory_space<vmem>>
    %dma_start3A_19 = arith.constant 0 : i32
    %dma_start3A_20 = arith.constant 0 : i32
    %dma_start3A_21 = tpu.memref_slice %arg10[%dma_start3A_19, %dma_start3A_20] : memref<10000x128xf32, #tpu.memory_space<vmem_shared>> -> memref<10000x128xf32, #tpu.memory_space<vmem_shared>>
    tpu.enqueue_indirect_dma source(%arg8 : memref<112x128xf32, #tpu.memory_space<vmem>>) target(%dma_start3A_21 : memref<10000x128xf32, #tpu.memory_space<vmem_shared>>) offsets(%dma_start3A_18 : memref<112xi32, #tpu.memory_space<vmem>>) semaphore(%arg13 : memref<!tpu.dma_semaphore, #tpu.memory_space<semaphore_mem>>) {add = true}
    %dma_start3A_22 = arith.constant 112 : i32
    %dma_start3A_23 = tpu.memref_slice %arg6[%dma_start3A_22] : memref<10080xi32, #tpu.memory_space<vmem>> -> memref<112xi32, #tpu.memory_space<vmem>>
    %dma_start3A_24 = arith.constant 0 : i32
    %dma_start3A_25 = arith.constant 0 : i32
    %dma_start3A_26 = tpu.memref_slice %arg2[%dma_start3A_24, %dma_start3A_25] : memref<10008x128xf32, #tpu.memory_space<hbm>> -> memref<10008x128xf32, #tpu.memory_space<hbm>>
    tpu.enqueue_indirect_dma source(%dma_start3A_26 : memref<10008x128xf32, #tpu.memory_space<hbm>>) target(%arg9 : memref<112x128xf32, #tpu.memory_space<vmem>>) offsets(%dma_start3A_23 : memref<112xi32, #tpu.memory_space<vmem>>) semaphore(%arg12 : memref<!tpu.dma_semaphore, #tpu.memory_space<semaphore_mem>>)
    %scan3A = arith.constant 0 : i32
    %scan3A_27 = arith.constant 44 : i32
    %scan3A_28 = arith.addi %scan3A, %scan3A_27 : i32
    %scan3A_29 = arith.constant 1 : i32
    scf.for %scan3A_68 = %scan3A to %scan3A_28 step %scan3A_29  : i32 {
      %mul3A_69 = arith.constant 2 : i32
      %mul3A_70 = arith.muli %scan3A_68, %mul3A_69 : i32
      %add3A_71 = arith.constant 1 : i32
      %add3A_72 = arith.addi %add3A_71, %mul3A_70 : i32
      %mul3A_73 = arith.constant 112 : i32
      %mul3A_74 = arith.muli %add3A_72, %mul3A_73 : i32
      %dma_wait3A_75 = tpu.memref_slice %arg6[%mul3A_74] : memref<10080xi32, #tpu.memory_space<vmem>> -> memref<112xi32, #tpu.memory_space<vmem>>
      %dma_wait3A_76 = arith.constant 0 : i32
      %dma_wait3A_77 = arith.constant 0 : i32
      %dma_wait3A_78 = tpu.memref_slice %arg2[%dma_wait3A_76, %dma_wait3A_77] : memref<10008x128xf32, #tpu.memory_space<hbm>> -> memref<10008x128xf32, #tpu.memory_space<hbm>>
      tpu.wait_indirect_dma semaphore(%arg12 : memref<!tpu.dma_semaphore, #tpu.memory_space<semaphore_mem>>) src(%dma_wait3A_78 : memref<10008x128xf32, #tpu.memory_space<hbm>>) dst(%arg9 : memref<112x128xf32, #tpu.memory_space<vmem>>)
      %dma_start3A_79 = arith.constant 0 : i32
      %dma_start3A_80 = tpu.memref_slice %arg7[%add3A_72, %dma_start3A_79] : memref<90x112xi32, #tpu.memory_space<vmem>> -> memref<1x112xi32, #tpu.memory_space<vmem>>
      %dma_start3A_81 = tpu.memref_squeeze %dma_start3A_80 : memref<1x112xi32, #tpu.memory_space<vmem>> -> memref<112xi32, #tpu.memory_space<vmem>>
      %dma_start3A_82 = arith.constant 0 : i32
      %dma_start3A_83 = arith.constant 0 : i32
      %dma_start3A_84 = tpu.memref_slice %arg10[%dma_start3A_82, %dma_start3A_83] : memref<10000x128xf32, #tpu.memory_space<vmem_shared>> -> memref<10000x128xf32, #tpu.memory_space<vmem_shared>>
      tpu.enqueue_indirect_dma source(%arg9 : memref<112x128xf32, #tpu.memory_space<vmem>>) target(%dma_start3A_84 : memref<10000x128xf32, #tpu.memory_space<vmem_shared>>) offsets(%dma_start3A_81 : memref<112xi32, #tpu.memory_space<vmem>>) semaphore(%arg14 : memref<!tpu.dma_semaphore, #tpu.memory_space<semaphore_mem>>) {add = true}
      %sub3A = arith.constant 1 : i32
      %sub3A_85 = arith.subi %add3A_72, %sub3A : i32
      %dma_wait3A_86 = arith.constant 0 : i32
      %dma_wait3A_87 = tpu.memref_slice %arg7[%sub3A_85, %dma_wait3A_86] : memref<90x112xi32, #tpu.memory_space<vmem>> -> memref<1x112xi32, #tpu.memory_space<vmem>>
      %dma_wait3A_88 = tpu.memref_squeeze %dma_wait3A_87 : memref<1x112xi32, #tpu.memory_space<vmem>> -> memref<112xi32, #tpu.memory_space<vmem>>
      %dma_wait3A_89 = arith.constant 0 : i32
      %dma_wait3A_90 = arith.constant 0 : i32
      %dma_wait3A_91 = tpu.memref_slice %arg10[%dma_wait3A_89, %dma_wait3A_90] : memref<10000x128xf32, #tpu.memory_space<vmem_shared>> -> memref<10000x128xf32, #tpu.memory_space<vmem_shared>>
      tpu.wait_indirect_dma semaphore(%arg13 : memref<!tpu.dma_semaphore, #tpu.memory_space<semaphore_mem>>) src(%arg8 : memref<112x128xf32, #tpu.memory_space<vmem>>) dst(%dma_wait3A_91 : memref<10000x128xf32, #tpu.memory_space<vmem_shared>>)
      %add3A_92 = arith.constant 1 : i32
      %add3A_93 = arith.addi %add3A_72, %add3A_92 : i32
      %mul3A_94 = arith.constant 112 : i32
      %mul3A_95 = arith.muli %add3A_93, %mul3A_94 : i32
      %dma_start3A_96 = tpu.memref_slice %arg6[%mul3A_95] : memref<10080xi32, #tpu.memory_space<vmem>> -> memref<112xi32, #tpu.memory_space<vmem>>
      %dma_start3A_97 = arith.constant 0 : i32
      %dma_start3A_98 = arith.constant 0 : i32
      %dma_start3A_99 = tpu.memref_slice %arg2[%dma_start3A_97, %dma_start3A_98] : memref<10008x128xf32, #tpu.memory_space<hbm>> -> memref<10008x128xf32, #tpu.memory_space<hbm>>
      tpu.enqueue_indirect_dma source(%dma_start3A_99 : memref<10008x128xf32, #tpu.memory_space<hbm>>) target(%arg8 : memref<112x128xf32, #tpu.memory_space<vmem>>) offsets(%dma_start3A_96 : memref<112xi32, #tpu.memory_space<vmem>>) semaphore(%arg11 : memref<!tpu.dma_semaphore, #tpu.memory_space<semaphore_mem>>)
      %add3A_100 = arith.constant 1 : i32
      %add3A_101 = arith.addi %add3A_72, %add3A_100 : i32
      %mul3A_102 = arith.constant 112 : i32
      %mul3A_103 = arith.muli %add3A_101, %mul3A_102 : i32
      %dma_wait3A_104 = tpu.memref_slice %arg6[%mul3A_103] : memref<10080xi32, #tpu.memory_space<vmem>> -> memref<112xi32, #tpu.memory_space<vmem>>
      %dma_wait3A_105 = arith.constant 0 : i32
      %dma_wait3A_106 = arith.constant 0 : i32
      %dma_wait3A_107 = tpu.memref_slice %arg2[%dma_wait3A_105, %dma_wait3A_106] : memref<10008x128xf32, #tpu.memory_space<hbm>> -> memref<10008x128xf32, #tpu.memory_space<hbm>>
      tpu.wait_indirect_dma semaphore(%arg11 : memref<!tpu.dma_semaphore, #tpu.memory_space<semaphore_mem>>) src(%dma_wait3A_107 : memref<10008x128xf32, #tpu.memory_space<hbm>>) dst(%arg8 : memref<112x128xf32, #tpu.memory_space<vmem>>)
      %add3A_108 = arith.constant 1 : i32
      %add3A_109 = arith.addi %add3A_72, %add3A_108 : i32
      %dma_start3A_110 = arith.constant 0 : i32
      %dma_start3A_111 = tpu.memref_slice %arg7[%add3A_109, %dma_start3A_110] : memref<90x112xi32, #tpu.memory_space<vmem>> -> memref<1x112xi32, #tpu.memory_space<vmem>>
      %dma_start3A_112 = tpu.memref_squeeze %dma_start3A_111 : memref<1x112xi32, #tpu.memory_space<vmem>> -> memref<112xi32, #tpu.memory_space<vmem>>
      %dma_start3A_113 = arith.constant 0 : i32
      %dma_start3A_114 = arith.constant 0 : i32
      %dma_start3A_115 = tpu.memref_slice %arg10[%dma_start3A_113, %dma_start3A_114] : memref<10000x128xf32, #tpu.memory_space<vmem_shared>> -> memref<10000x128xf32, #tpu.memory_space<vmem_shared>>
      tpu.enqueue_indirect_dma source(%arg8 : memref<112x128xf32, #tpu.memory_space<vmem>>) target(%dma_start3A_115 : memref<10000x128xf32, #tpu.memory_space<vmem_shared>>) offsets(%dma_start3A_112 : memref<112xi32, #tpu.memory_space<vmem>>) semaphore(%arg13 : memref<!tpu.dma_semaphore, #tpu.memory_space<semaphore_mem>>) {add = true}
      %dma_wait3A_116 = arith.constant 0 : i32
      %dma_wait3A_117 = tpu.memref_slice %arg7[%add3A_72, %dma_wait3A_116] : memref<90x112xi32, #tpu.memory_space<vmem>> -> memref<1x112xi32, #tpu.memory_space<vmem>>
      %dma_wait3A_118 = tpu.memref_squeeze %dma_wait3A_117 : memref<1x112xi32, #tpu.memory_space<vmem>> -> memref<112xi32, #tpu.memory_space<vmem>>
      %dma_wait3A_119 = arith.constant 0 : i32
      %dma_wait3A_120 = arith.constant 0 : i32
      %dma_wait3A_121 = tpu.memref_slice %arg10[%dma_wait3A_119, %dma_wait3A_120] : memref<10000x128xf32, #tpu.memory_space<vmem_shared>> -> memref<10000x128xf32, #tpu.memory_space<vmem_shared>>
      tpu.wait_indirect_dma semaphore(%arg14 : memref<!tpu.dma_semaphore, #tpu.memory_space<semaphore_mem>>) src(%arg9 : memref<112x128xf32, #tpu.memory_space<vmem>>) dst(%dma_wait3A_121 : memref<10000x128xf32, #tpu.memory_space<vmem_shared>>)
      %add3A_122 = arith.constant 2 : i32
      %add3A_123 = arith.addi %add3A_72, %add3A_122 : i32
      %mul3A_124 = arith.constant 112 : i32
      %mul3A_125 = arith.muli %add3A_123, %mul3A_124 : i32
      %dma_start3A_126 = tpu.memref_slice %arg6[%mul3A_125] : memref<10080xi32, #tpu.memory_space<vmem>> -> memref<112xi32, #tpu.memory_space<vmem>>
      %dma_start3A_127 = arith.constant 0 : i32
      %dma_start3A_128 = arith.constant 0 : i32
      %dma_start3A_129 = tpu.memref_slice %arg2[%dma_start3A_127, %dma_start3A_128] : memref<10008x128xf32, #tpu.memory_space<hbm>> -> memref<10008x128xf32, #tpu.memory_space<hbm>>
      tpu.enqueue_indirect_dma source(%dma_start3A_129 : memref<10008x128xf32, #tpu.memory_space<hbm>>) target(%arg9 : memref<112x128xf32, #tpu.memory_space<vmem>>) offsets(%dma_start3A_126 : memref<112xi32, #tpu.memory_space<vmem>>) semaphore(%arg12 : memref<!tpu.dma_semaphore, #tpu.memory_space<semaphore_mem>>)
    }
    %scan3A_30 = arith.constant 44 : i32
    %dma_wait3A_31 = arith.constant 9968 : i32
    %dma_wait3A_32 = tpu.memref_slice %arg6[%dma_wait3A_31] : memref<10080xi32, #tpu.memory_space<vmem>> -> memref<112xi32, #tpu.memory_space<vmem>>
    %dma_wait3A_33 = arith.constant 0 : i32
    %dma_wait3A_34 = arith.constant 0 : i32
    %dma_wait3A_35 = tpu.memref_slice %arg2[%dma_wait3A_33, %dma_wait3A_34] : memref<10008x128xf32, #tpu.memory_space<hbm>> -> memref<10008x128xf32, #tpu.memory_space<hbm>>
    tpu.wait_indirect_dma semaphore(%arg12 : memref<!tpu.dma_semaphore, #tpu.memory_space<semaphore_mem>>) src(%dma_wait3A_35 : memref<10008x128xf32, #tpu.memory_space<hbm>>) dst(%arg9 : memref<112x128xf32, #tpu.memory_space<vmem>>)
    %dma_start3A_36 = arith.constant 89 : i32
    %dma_start3A_37 = arith.constant 0 : i32
    %dma_start3A_38 = tpu.memref_slice %arg7[%dma_start3A_36, %dma_start3A_37] : memref<90x112xi32, #tpu.memory_space<vmem>> -> memref<1x112xi32, #tpu.memory_space<vmem>>
    %dma_start3A_39 = tpu.memref_squeeze %dma_start3A_38 : memref<1x112xi32, #tpu.memory_space<vmem>> -> memref<112xi32, #tpu.memory_space<vmem>>
    %dma_start3A_40 = arith.constant 0 : i32
    %dma_start3A_41 = arith.constant 0 : i32
    %dma_start3A_42 = tpu.memref_slice %arg10[%dma_start3A_40, %dma_start3A_41] : memref<10000x128xf32, #tpu.memory_space<vmem_shared>> -> memref<10000x128xf32, #tpu.memory_space<vmem_shared>>
    tpu.enqueue_indirect_dma source(%arg9 : memref<112x128xf32, #tpu.memory_space<vmem>>) target(%dma_start3A_42 : memref<10000x128xf32, #tpu.memory_space<vmem_shared>>) offsets(%dma_start3A_39 : memref<112xi32, #tpu.memory_space<vmem>>) semaphore(%arg14 : memref<!tpu.dma_semaphore, #tpu.memory_space<semaphore_mem>>) {add = true}
    %dma_wait3A_43 = arith.constant 88 : i32
    %dma_wait3A_44 = arith.constant 0 : i32
    %dma_wait3A_45 = tpu.memref_slice %arg7[%dma_wait3A_43, %dma_wait3A_44] : memref<90x112xi32, #tpu.memory_space<vmem>> -> memref<1x112xi32, #tpu.memory_space<vmem>>
    %dma_wait3A_46 = tpu.memref_squeeze %dma_wait3A_45 : memref<1x112xi32, #tpu.memory_space<vmem>> -> memref<112xi32, #tpu.memory_space<vmem>>
    %dma_wait3A_47 = arith.constant 0 : i32
    %dma_wait3A_48 = arith.constant 0 : i32
    %dma_wait3A_49 = tpu.memref_slice %arg10[%dma_wait3A_47, %dma_wait3A_48] : memref<10000x128xf32, #tpu.memory_space<vmem_shared>> -> memref<10000x128xf32, #tpu.memory_space<vmem_shared>>
    tpu.wait_indirect_dma semaphore(%arg13 : memref<!tpu.dma_semaphore, #tpu.memory_space<semaphore_mem>>) src(%arg8 : memref<112x128xf32, #tpu.memory_space<vmem>>) dst(%dma_wait3A_49 : memref<10000x128xf32, #tpu.memory_space<vmem_shared>>)
    %dma_wait3A_50 = arith.constant 89 : i32
    %dma_wait3A_51 = arith.constant 0 : i32
    %dma_wait3A_52 = tpu.memref_slice %arg7[%dma_wait3A_50, %dma_wait3A_51] : memref<90x112xi32, #tpu.memory_space<vmem>> -> memref<1x112xi32, #tpu.memory_space<vmem>>
    %dma_wait3A_53 = tpu.memref_squeeze %dma_wait3A_52 : memref<1x112xi32, #tpu.memory_space<vmem>> -> memref<112xi32, #tpu.memory_space<vmem>>
    %dma_wait3A_54 = arith.constant 0 : i32
    %dma_wait3A_55 = arith.constant 0 : i32
    %dma_wait3A_56 = tpu.memref_slice %arg10[%dma_wait3A_54, %dma_wait3A_55] : memref<10000x128xf32, #tpu.memory_space<vmem_shared>> -> memref<10000x128xf32, #tpu.memory_space<vmem_shared>>
    tpu.wait_indirect_dma semaphore(%arg14 : memref<!tpu.dma_semaphore, #tpu.memory_space<semaphore_mem>>) src(%arg9 : memref<112x128xf32, #tpu.memory_space<vmem>>) dst(%dma_wait3A_56 : memref<10000x128xf32, #tpu.memory_space<vmem_shared>>)
    %barrier3A_57 = arith.constant 0 : index
    tpu.barrier barrier_id(%barrier3A_57)
    %lt3A_58 = arith.constant 15 : i32
    %lt3A_59 = arith.cmpi slt, %arg1, %lt3A_58 : i32
    %convert_element_type3A_60 = arith.extui %lt3A_59 : i1 to i32
    %cond3A_61 = arith.constant 0 : i32
    %cond3A_62 = arith.cmpi ne, %convert_element_type3A_60, %cond3A_61 : i32
    scf.if %cond3A_62 {
      %mul3A_68 = arith.constant 624 : i32
      %mul3A_69 = arith.muli %arg1, %mul3A_68 : i32
      %multiple_of3A = tpu.assume_multiple %mul3A_69, 8 : i32
      "tpu.region"() ({
        %run_scoped3A = tpu.sem_alloc : memref<!tpu.dma_semaphore, #tpu.memory_space<semaphore_mem>>
        %dma_start3A_70 = arith.constant 0 : i32
        %dma_start3A_71 = tpu.memref_slice %arg5[%arg0, %multiple_of3A, %dma_start3A_70] : memref<2x10000x128xf32, #tpu.memory_space<hbm>> -> memref<1x624x128xf32, #tpu.memory_space<hbm>>
        %dma_start3A_72 = tpu.memref_squeeze %dma_start3A_71 : memref<1x624x128xf32, #tpu.memory_space<hbm>> -> memref<624x128xf32, #tpu.memory_space<hbm>>
        %dma_start3A_73 = arith.constant 0 : i32
        %dma_start3A_74 = tpu.memref_slice %arg10[%multiple_of3A, %dma_start3A_73] : memref<10000x128xf32, #tpu.memory_space<vmem_shared>> -> memref<624x128xf32, #tpu.memory_space<vmem_shared>>
        tpu.enqueue_dma source(%dma_start3A_74 : memref<624x128xf32, #tpu.memory_space<vmem_shared>>) target(%dma_start3A_72 : memref<624x128xf32, #tpu.memory_space<hbm>>) target_semaphore(%run_scoped3A : memref<!tpu.dma_semaphore, #tpu.memory_space<semaphore_mem>>)
        %dma_wait3A_75 = arith.constant 0 : i32
        %dma_wait3A_76 = tpu.memref_slice %arg5[%arg0, %multiple_of3A, %dma_wait3A_75] : memref<2x10000x128xf32, #tpu.memory_space<hbm>> -> memref<1x624x128xf32, #tpu.memory_space<hbm>>
        %dma_wait3A_77 = tpu.memref_squeeze %dma_wait3A_76 : memref<1x624x128xf32, #tpu.memory_space<hbm>> -> memref<624x128xf32, #tpu.memory_space<hbm>>
        %dma_wait3A_78 = arith.constant 0 : i32
        %dma_wait3A_79 = tpu.memref_slice %arg10[%multiple_of3A, %dma_wait3A_78] : memref<10000x128xf32, #tpu.memory_space<vmem_shared>> -> memref<624x128xf32, #tpu.memory_space<vmem_shared>>
        tpu.wait_dma2 semaphore(%run_scoped3A : memref<!tpu.dma_semaphore, #tpu.memory_space<semaphore_mem>>) src(%dma_wait3A_79 : memref<624x128xf32, #tpu.memory_space<vmem_shared>>) dst(%dma_wait3A_77 : memref<624x128xf32, #tpu.memory_space<hbm>>)
        tpu.yield
      }) : () -> ()
    } else {
    }
    %eq3A_63 = arith.constant 15 : i32
    %eq3A_64 = arith.cmpi eq, %arg1, %eq3A_63 : i32
    %convert_element_type3A_65 = arith.extui %eq3A_64 : i1 to i32
    %cond3A_66 = arith.constant 0 : i32
    %cond3A_67 = arith.cmpi ne, %convert_element_type3A_65, %cond3A_66 : i32
    scf.if %cond3A_67 {
      "tpu.region"() ({
        %run_scoped3A = tpu.sem_alloc : memref<!tpu.dma_semaphore, #tpu.memory_space<semaphore_mem>>
        %dma_start3A_68 = arith.constant 9360 : i32
        %dma_start3A_69 = arith.constant 0 : i32
        %dma_start3A_70 = tpu.memref_slice %arg5[%arg0, %dma_start3A_68, %dma_start3A_69] : memref<2x10000x128xf32, #tpu.memory_space<hbm>> -> memref<1x640x128xf32, #tpu.memory_space<hbm>>
        %dma_start3A_71 = tpu.memref_squeeze %dma_start3A_70 : memref<1x640x128xf32, #tpu.memory_space<hbm>> -> memref<640x128xf32, #tpu.memory_space<hbm>>
        %dma_start3A_72 = arith.constant 9360 : i32
        %dma_start3A_73 = arith.constant 0 : i32
        %dma_start3A_74 = tpu.memref_slice %arg10[%dma_start3A_72, %dma_start3A_73] : memref<10000x128xf32, #tpu.memory_space<vmem_shared>> -> memref<640x128xf32, #tpu.memory_space<vmem_shared>>
        tpu.enqueue_dma source(%dma_start3A_74 : memref<640x128xf32, #tpu.memory_space<vmem_shared>>) target(%dma_start3A_71 : memref<640x128xf32, #tpu.memory_space<hbm>>) target_semaphore(%run_scoped3A : memref<!tpu.dma_semaphore, #tpu.memory_space<semaphore_mem>>)
        %dma_wait3A_75 = arith.constant 9360 : i32
        %dma_wait3A_76 = arith.constant 0 : i32
        %dma_wait3A_77 = tpu.memref_slice %arg5[%arg0, %dma_wait3A_75, %dma_wait3A_76] : memref<2x10000x128xf32, #tpu.memory_space<hbm>> -> memref<1x640x128xf32, #tpu.memory_space<hbm>>
        %dma_wait3A_78 = tpu.memref_squeeze %dma_wait3A_77 : memref<1x640x128xf32, #tpu.memory_space<hbm>> -> memref<640x128xf32, #tpu.memory_space<hbm>>
        %dma_wait3A_79 = arith.constant 9360 : i32
        %dma_wait3A_80 = arith.constant 0 : i32
        %dma_wait3A_81 = tpu.memref_slice %arg10[%dma_wait3A_79, %dma_wait3A_80] : memref<10000x128xf32, #tpu.memory_space<vmem_shared>> -> memref<640x128xf32, #tpu.memory_space<vmem_shared>>
        tpu.wait_dma2 semaphore(%run_scoped3A : memref<!tpu.dma_semaphore, #tpu.memory_space<semaphore_mem>>) src(%dma_wait3A_81 : memref<640x128xf32, #tpu.memory_space<vmem_shared>>) dst(%dma_wait3A_78 : memref<640x128xf32, #tpu.memory_space<hbm>>)
        tpu.yield
      }) : () -> ()
    } else {
    }
    return
  }
}

module attributes {stable_mosaic.version = 14 : i64} {
  func.func @_tc1a_body(%arg0: i32, %arg1: memref<1000x128xf32, #tpu.memory_space<vmem>>, %arg2: memref<128x128xf32, #tpu.memory_space<vmem>>, %arg3: memref<1000x128xf32, #tpu.memory_space<vmem>>) attributes {dimension_semantics = [#tpu.dimension_semantics<arbitrary>], iteration_bounds = array<i64: 10>, scalar_prefetch = 0 : i64, scratch_operands = 0 : i64, tpu.core_type = #tpu.core_type<tc>, window_params = [{transform_indices = @transform_0, window_bounds = array<i64: 1000, 128>}, {pipeline_mode = #tpu.pipeline_mode<synchronous>, transform_indices = @transform_1, window_bounds = array<i64: 128, 128>}, {transform_indices = @transform_2, window_bounds = array<i64: 1000, 128>}]} {
    %get3A = arith.constant 0 : index
    %get3A_0 = arith.constant 0 : index
    %get3A_1 = vector.load %arg1[%get3A, %get3A_0] : memref<1000x128xf32, #tpu.memory_space<vmem>>, vector<1000x128xf32>
    %get3A_2 = arith.constant 0 : index
    %get3A_3 = arith.constant 0 : index
    %get3A_4 = vector.load %arg2[%get3A_2, %get3A_3] : memref<128x128xf32, #tpu.memory_space<vmem>>, vector<128x128xf32>
    %dot_general3A = arith.constant dense<0.000000e+00> : vector<1000x128xf32>
    %dot_general3A_5 = tpu.matmul %get3A_1, %get3A_4, %dot_general3A {dimension_numbers = #tpu.dot_dimension_numbers<[1], [0], [0], [1], [0, 0, 1, 1], [], []>, transpose_lhs_hint = false} : vector<1000x128xf32>, vector<128x128xf32>, vector<1000x128xf32> -> vector<1000x128xf32>
    %swap3A = arith.constant 0 : index
    %swap3A_6 = arith.constant 0 : index
    %swap3A_7 = vector.load %arg3[%swap3A, %swap3A_6] : memref<1000x128xf32, #tpu.memory_space<vmem>>, vector<1000x128xf32>
    tpu.vector_store %arg3[%swap3A, %swap3A_6], %dot_general3A_5 {strides = array<i32>} : memref<1000x128xf32, #tpu.memory_space<vmem>>, vector<1000x128xf32>,
    return
  }
  func.func @transform_0(%arg0: i32) -> (i32, i32) {
    %c0_i32 = arith.constant 0 : i32
    %c0_i32_0 = arith.constant 0 : i32
    return %arg0, %c0_i32 : i32, i32
  }
  func.func @transform_1(%arg0: i32) -> (i32, i32) {
    %c0_i32 = arith.constant 0 : i32
    %c0_i32_0 = arith.constant 0 : i32
    %c0_i32_1 = arith.constant 0 : i32
    return %c0_i32, %c0_i32_0 : i32, i32
  }
  func.func @transform_2(%arg0: i32) -> (i32, i32) {
    %c0_i32 = arith.constant 0 : i32
    %c0_i32_0 = arith.constant 0 : i32
    return %arg0, %c0_i32 : i32, i32
  }
}

module attributes {stable_mosaic.version = 14 : i64} {
  func.func @_tc1b_body(%arg0: i32, %arg1: memref<1000x128xf32, #tpu.memory_space<vmem>>, %arg2: memref<2x1000x16xf32, #tpu.memory_space<vmem>>, %arg3: memref<1000x128xf32, #tpu.memory_space<vmem>>) attributes {dimension_semantics = [#tpu.dimension_semantics<arbitrary>], iteration_bounds = array<i64: 10>, scalar_prefetch = 0 : i64, scratch_operands = 0 : i64, tpu.core_type = #tpu.core_type<tc>, window_params = [{transform_indices = @transform_0, window_bounds = array<i64: 1000, 128>}, {transform_indices = @transform_1, window_bounds = array<i64: 2, 1000, 16>}, {transform_indices = @transform_2, window_bounds = array<i64: 1000, 128>}]} {
    %get3A = arith.constant 0 : index
    %get3A_0 = arith.constant 0 : index
    %get3A_1 = vector.load %arg1[%get3A, %get3A_0] : memref<1000x128xf32, #tpu.memory_space<vmem>>, vector<1000x128xf32>
    %get3A_2 = arith.constant 0 : index
    %get3A_3 = arith.constant 0 : index
    %get3A_4 = arith.constant 0 : index
    %get3A_5 = vector.load %arg2[%get3A_2, %get3A_3, %get3A_4] : memref<2x1000x16xf32, #tpu.memory_space<vmem>>, vector<2x1000x16xf32>
    %slice3A = vector.extract_strided_slice %get3A_5 {offsets = [0, 0, 0], sizes = [1, 1000, 1], strides = [1, 1, 1]} : vector<2x1000x16xf32> to vector<1x1000x1xf32>
    %squeeze3A = vector.shape_cast %slice3A : vector<1x1000x1xf32> to vector<1000x1xf32>
    %slice3A_6 = vector.extract_strided_slice %get3A_5 {offsets = [1, 0, 0], sizes = [1, 1000, 1], strides = [1, 1, 1]} : vector<2x1000x16xf32> to vector<1x1000x1xf32>
    %squeeze3A_7 = vector.shape_cast %slice3A_6 : vector<1x1000x1xf32> to vector<1000x1xf32>
    %add3A = arith.addf %squeeze3A, %squeeze3A_7 : vector<1000x1xf32>
    %sub3A = arith.constant 1.000000e+00 : f32
    %sub3A_8 = vector.broadcast %sub3A : f32 to vector<1000x1xf32>
    %sub3A_9 = arith.subf %add3A, %sub3A_8 : vector<1000x1xf32>
    %rsqrt3A = math.rsqrt %sub3A_9 : vector<1000x1xf32>
    %mul3A = vector.broadcast %rsqrt3A : vector<1000x1xf32> to vector<1000x128xf32>
    %mul3A_10 = arith.mulf %get3A_1, %mul3A : vector<1000x128xf32>
    %swap3A = arith.constant 0 : index
    %swap3A_11 = arith.constant 0 : index
    %swap3A_12 = vector.load %arg3[%swap3A, %swap3A_11] : memref<1000x128xf32, #tpu.memory_space<vmem>>, vector<1000x128xf32>
    tpu.vector_store %arg3[%swap3A, %swap3A_11], %mul3A_10 {strides = array<i32>} : memref<1000x128xf32, #tpu.memory_space<vmem>>, vector<1000x128xf32>,
    return
  }
  func.func @transform_0(%arg0: i32) -> (i32, i32) {
    %c0_i32 = arith.constant 0 : i32
    %c0_i32_0 = arith.constant 0 : i32
    return %arg0, %c0_i32 : i32, i32
  }
  func.func @transform_1(%arg0: i32) -> (i32, i32, i32) {
    %c0_i32 = arith.constant 0 : i32
    %c0_i32_0 = arith.constant 0 : i32
    %c0_i32_1 = arith.constant 0 : i32
    return %c0_i32, %arg0, %c0_i32_0 : i32, i32, i32
  }
  func.func @transform_2(%arg0: i32) -> (i32, i32) {
    %c0_i32 = arith.constant 0 : i32
    %c0_i32_0 = arith.constant 0 : i32
    return %arg0, %c0_i32 : i32, i32
  }
}

module attributes {stable_mosaic.version = 14 : i64} {
  func.func @_tc2_body(%arg0: i32, %arg1: memref<2x1000x128xf32, #tpu.memory_space<vmem>>, %arg2: memref<1000x128xf32, #tpu.memory_space<vmem>>, %arg3: memref<2x1000x16xf32, #tpu.memory_space<vmem>>, %arg4: memref<1x128xf32, #tpu.memory_space<vmem>>, %arg5: memref<128x128xf32, #tpu.memory_space<vmem>>, %arg6: memref<1000x128xf32, #tpu.memory_space<vmem>>) attributes {dimension_semantics = [#tpu.dimension_semantics<arbitrary>], iteration_bounds = array<i64: 10>, scalar_prefetch = 0 : i64, scratch_operands = 0 : i64, tpu.core_type = #tpu.core_type<tc>, window_params = [{transform_indices = @transform_0, window_bounds = array<i64: 2, 1000, 128>}, {transform_indices = @transform_1, window_bounds = array<i64: 1000, 128>}, {transform_indices = @transform_2, window_bounds = array<i64: 2, 1000, 16>}, {pipeline_mode = #tpu.pipeline_mode<synchronous>, transform_indices = @transform_3, window_bounds = array<i64: 1, 128>}, {pipeline_mode = #tpu.pipeline_mode<synchronous>, transform_indices = @transform_4, window_bounds = array<i64: 128, 128>}, {transform_indices = @transform_5, window_bounds = array<i64: 1000, 128>}]} {
    %get3A = arith.constant 0 : index
    %get3A_0 = arith.constant 0 : index
    %get3A_1 = arith.constant 0 : index
    %get3A_2 = vector.load %arg3[%get3A, %get3A_0, %get3A_1] : memref<2x1000x16xf32, #tpu.memory_space<vmem>>, vector<2x1000x16xf32>
    %slice3A = vector.extract_strided_slice %get3A_2 {offsets = [0, 0, 0], sizes = [1, 1000, 1], strides = [1, 1, 1]} : vector<2x1000x16xf32> to vector<1x1000x1xf32>
    %squeeze3A = vector.shape_cast %slice3A : vector<1x1000x1xf32> to vector<1000x1xf32>
    %slice3A_3 = vector.extract_strided_slice %get3A_2 {offsets = [1, 0, 0], sizes = [1, 1000, 1], strides = [1, 1, 1]} : vector<2x1000x16xf32> to vector<1x1000x1xf32>
    %squeeze3A_4 = vector.shape_cast %slice3A_3 : vector<1x1000x1xf32> to vector<1000x1xf32>
    %add3A = arith.addf %squeeze3A, %squeeze3A_4 : vector<1000x1xf32>
    %sub3A = arith.constant 1.000000e+00 : f32
    %sub3A_5 = vector.broadcast %sub3A : f32 to vector<1000x1xf32>
    %sub3A_6 = arith.subf %add3A, %sub3A_5 : vector<1000x1xf32>
    %rsqrt3A = math.rsqrt %sub3A_6 : vector<1000x1xf32>
    %get3A_7 = arith.constant 0 : index
    %get3A_8 = arith.constant 0 : index
    %get3A_9 = arith.constant 0 : index
    %get3A_10 = vector.load %arg1[%get3A_7, %get3A_8, %get3A_9] : memref<2x1000x128xf32, #tpu.memory_space<vmem>>, vector<1x1000x128xf32>
    %get3A_11 = vector.shape_cast %get3A_10 : vector<1x1000x128xf32> to vector<1000x128xf32>
    %get3A_12 = arith.constant 1 : index
    %get3A_13 = arith.constant 0 : index
    %get3A_14 = arith.constant 0 : index
    %get3A_15 = vector.load %arg1[%get3A_12, %get3A_13, %get3A_14] : memref<2x1000x128xf32, #tpu.memory_space<vmem>>, vector<1x1000x128xf32>
    %get3A_16 = vector.shape_cast %get3A_15 : vector<1x1000x128xf32> to vector<1000x128xf32>
    %add3A_17 = arith.addf %get3A_11, %get3A_16 : vector<1000x128xf32>
    %get3A_18 = arith.constant 0 : index
    %get3A_19 = arith.constant 0 : index
    %get3A_20 = vector.load %arg2[%get3A_18, %get3A_19] : memref<1000x128xf32, #tpu.memory_space<vmem>>, vector<1000x128xf32>
    %sub3A_21 = arith.subf %add3A_17, %get3A_20 : vector<1000x128xf32>
    %mul3A = vector.broadcast %rsqrt3A : vector<1000x1xf32> to vector<1000x128xf32>
    %mul3A_22 = arith.mulf %sub3A_21, %mul3A : vector<1000x128xf32>
    %get3A_23 = arith.constant 0 : index
    %get3A_24 = arith.constant 0 : index
    %get3A_25 = vector.load %arg4[%get3A_23, %get3A_24] : memref<1x128xf32, #tpu.memory_space<vmem>>, vector<1x128xf32>
    %add3A_26 = vector.broadcast %get3A_25 : vector<1x128xf32> to vector<1000x128xf32>
    %add3A_27 = arith.addf %mul3A_22, %add3A_26 : vector<1000x128xf32>
    %max3A = arith.constant 0.000000e+00 : f32
    %max3A_28 = vector.broadcast %max3A : f32 to vector<1000x128xf32>
    %max3A_29 = arith.maximumf %add3A_27, %max3A_28 : vector<1000x128xf32>
    %get3A_30 = arith.constant 0 : index
    %get3A_31 = arith.constant 0 : index
    %get3A_32 = vector.load %arg5[%get3A_30, %get3A_31] : memref<128x128xf32, #tpu.memory_space<vmem>>, vector<128x128xf32>
    %dot_general3A = arith.constant dense<0.000000e+00> : vector<1000x128xf32>
    %dot_general3A_33 = tpu.matmul %max3A_29, %get3A_32, %dot_general3A {dimension_numbers = #tpu.dot_dimension_numbers<[1], [0], [0], [1], [0, 0, 1, 1], [], []>, transpose_lhs_hint = false} : vector<1000x128xf32>, vector<128x128xf32>, vector<1000x128xf32> -> vector<1000x128xf32>
    %mul3A_34 = vector.broadcast %rsqrt3A : vector<1000x1xf32> to vector<1000x128xf32>
    %mul3A_35 = arith.mulf %dot_general3A_33, %mul3A_34 : vector<1000x128xf32>
    %swap3A = arith.constant 0 : index
    %swap3A_36 = arith.constant 0 : index
    %swap3A_37 = vector.load %arg6[%swap3A, %swap3A_36] : memref<1000x128xf32, #tpu.memory_space<vmem>>, vector<1000x128xf32>
    tpu.vector_store %arg6[%swap3A, %swap3A_36], %mul3A_35 {strides = array<i32>} : memref<1000x128xf32, #tpu.memory_space<vmem>>, vector<1000x128xf32>,
    return
  }
  func.func @transform_0(%arg0: i32) -> (i32, i32, i32) {
    %c0_i32 = arith.constant 0 : i32
    %c0_i32_0 = arith.constant 0 : i32
    %c0_i32_1 = arith.constant 0 : i32
    return %c0_i32, %arg0, %c0_i32_0 : i32, i32, i32
  }
  func.func @transform_1(%arg0: i32) -> (i32, i32) {
    %c0_i32 = arith.constant 0 : i32
    %c0_i32_0 = arith.constant 0 : i32
    return %arg0, %c0_i32 : i32, i32
  }
  func.func @transform_2(%arg0: i32) -> (i32, i32, i32) {
    %c0_i32 = arith.constant 0 : i32
    %c0_i32_0 = arith.constant 0 : i32
    %c0_i32_1 = arith.constant 0 : i32
    return %c0_i32, %arg0, %c0_i32_0 : i32, i32, i32
  }
  func.func @transform_3(%arg0: i32) -> (i32, i32) {
    %c0_i32 = arith.constant 0 : i32
    %c0_i32_0 = arith.constant 0 : i32
    %c0_i32_1 = arith.constant 0 : i32
    return %c0_i32, %c0_i32_0 : i32, i32
  }
  func.func @transform_4(%arg0: i32) -> (i32, i32) {
    %c0_i32 = arith.constant 0 : i32
    %c0_i32_0 = arith.constant 0 : i32
    %c0_i32_1 = arith.constant 0 : i32
    return %c0_i32, %c0_i32_0 : i32, i32
  }
  func.func @transform_5(%arg0: i32) -> (i32, i32) {
    %c0_i32 = arith.constant 0 : i32
    %c0_i32_0 = arith.constant 0 : i32
    return %arg0, %c0_i32 : i32, i32
  }
}

module attributes {stable_mosaic.version = 14 : i64} {
  func.func @_tc3_body(%arg0: i32, %arg1: memref<2x1000x128xf32, #tpu.memory_space<vmem>>, %arg2: memref<1000x128xf32, #tpu.memory_space<vmem>>, %arg3: memref<2x1000x16xf32, #tpu.memory_space<vmem>>, %arg4: memref<1x128xf32, #tpu.memory_space<vmem>>, %arg5: memref<128x1xf32, #tpu.memory_space<vmem>>, %arg6: memref<1x1xf32, #tpu.memory_space<vmem>>, %arg7: memref<1000x1xf32, #tpu.memory_space<vmem>>) attributes {dimension_semantics = [#tpu.dimension_semantics<arbitrary>], iteration_bounds = array<i64: 10>, scalar_prefetch = 0 : i64, scratch_operands = 0 : i64, tpu.core_type = #tpu.core_type<tc>, window_params = [{transform_indices = @transform_0, window_bounds = array<i64: 2, 1000, 128>}, {transform_indices = @transform_1, window_bounds = array<i64: 1000, 128>}, {transform_indices = @transform_2, window_bounds = array<i64: 2, 1000, 16>}, {pipeline_mode = #tpu.pipeline_mode<synchronous>, transform_indices = @transform_3, window_bounds = array<i64: 1, 128>}, {pipeline_mode = #tpu.pipeline_mode<synchronous>, transform_indices = @transform_4, window_bounds = array<i64: 128, 1>}, {pipeline_mode = #tpu.pipeline_mode<synchronous>, transform_indices = @transform_5, window_bounds = array<i64: 1, 1>}, {transform_indices = @transform_6, window_bounds = array<i64: 1000, 1>}]} {
    %get3A = arith.constant 0 : index
    %get3A_0 = arith.constant 0 : index
    %get3A_1 = arith.constant 0 : index
    %get3A_2 = vector.load %arg3[%get3A, %get3A_0, %get3A_1] : memref<2x1000x16xf32, #tpu.memory_space<vmem>>, vector<2x1000x16xf32>
    %slice3A = vector.extract_strided_slice %get3A_2 {offsets = [0, 0, 0], sizes = [1, 1000, 1], strides = [1, 1, 1]} : vector<2x1000x16xf32> to vector<1x1000x1xf32>
    %squeeze3A = vector.shape_cast %slice3A : vector<1x1000x1xf32> to vector<1000x1xf32>
    %slice3A_3 = vector.extract_strided_slice %get3A_2 {offsets = [1, 0, 0], sizes = [1, 1000, 1], strides = [1, 1, 1]} : vector<2x1000x16xf32> to vector<1x1000x1xf32>
    %squeeze3A_4 = vector.shape_cast %slice3A_3 : vector<1x1000x1xf32> to vector<1000x1xf32>
    %add3A = arith.addf %squeeze3A, %squeeze3A_4 : vector<1000x1xf32>
    %sub3A = arith.constant 1.000000e+00 : f32
    %sub3A_5 = vector.broadcast %sub3A : f32 to vector<1000x1xf32>
    %sub3A_6 = arith.subf %add3A, %sub3A_5 : vector<1000x1xf32>
    %rsqrt3A = math.rsqrt %sub3A_6 : vector<1000x1xf32>
    %get3A_7 = arith.constant 0 : index
    %get3A_8 = arith.constant 0 : index
    %get3A_9 = arith.constant 0 : index
    %get3A_10 = vector.load %arg1[%get3A_7, %get3A_8, %get3A_9] : memref<2x1000x128xf32, #tpu.memory_space<vmem>>, vector<1x1000x128xf32>
    %get3A_11 = vector.shape_cast %get3A_10 : vector<1x1000x128xf32> to vector<1000x128xf32>
    %get3A_12 = arith.constant 1 : index
    %get3A_13 = arith.constant 0 : index
    %get3A_14 = arith.constant 0 : index
    %get3A_15 = vector.load %arg1[%get3A_12, %get3A_13, %get3A_14] : memref<2x1000x128xf32, #tpu.memory_space<vmem>>, vector<1x1000x128xf32>
    %get3A_16 = vector.shape_cast %get3A_15 : vector<1x1000x128xf32> to vector<1000x128xf32>
    %add3A_17 = arith.addf %get3A_11, %get3A_16 : vector<1000x128xf32>
    %get3A_18 = arith.constant 0 : index
    %get3A_19 = arith.constant 0 : index
    %get3A_20 = vector.load %arg2[%get3A_18, %get3A_19] : memref<1000x128xf32, #tpu.memory_space<vmem>>, vector<1000x128xf32>
    %sub3A_21 = arith.subf %add3A_17, %get3A_20 : vector<1000x128xf32>
    %mul3A = vector.broadcast %rsqrt3A : vector<1000x1xf32> to vector<1000x128xf32>
    %mul3A_22 = arith.mulf %sub3A_21, %mul3A : vector<1000x128xf32>
    %get3A_23 = arith.constant 0 : index
    %get3A_24 = arith.constant 0 : index
    %get3A_25 = vector.load %arg4[%get3A_23, %get3A_24] : memref<1x128xf32, #tpu.memory_space<vmem>>, vector<1x128xf32>
    %add3A_26 = vector.broadcast %get3A_25 : vector<1x128xf32> to vector<1000x128xf32>
    %add3A_27 = arith.addf %mul3A_22, %add3A_26 : vector<1000x128xf32>
    %max3A = arith.constant 0.000000e+00 : f32
    %max3A_28 = vector.broadcast %max3A : f32 to vector<1000x128xf32>
    %max3A_29 = arith.maximumf %add3A_27, %max3A_28 : vector<1000x128xf32>
    %get3A_30 = arith.constant 0 : index
    %get3A_31 = arith.constant 0 : index
    %get3A_32 = vector.load %arg5[%get3A_30, %get3A_31] : memref<128x1xf32, #tpu.memory_space<vmem>>, vector<128x1xf32>
    %dot_general3A = arith.constant dense<0.000000e+00> : vector<1000x1xf32>
    %dot_general3A_33 = tpu.matmul %max3A_29, %get3A_32, %dot_general3A {dimension_numbers = #tpu.dot_dimension_numbers<[1], [0], [0], [1], [0, 0, 1, 1], [], []>, transpose_lhs_hint = false} : vector<1000x128xf32>, vector<128x1xf32>, vector<1000x1xf32> -> vector<1000x1xf32>
    %get3A_34 = arith.constant 0 : index
    %get3A_35 = arith.constant 0 : index
    %get3A_36 = vector.load %arg6[%get3A_34, %get3A_35] : memref<1x1xf32, #tpu.memory_space<vmem>>, vector<1x1xf32>
    %add3A_37 = vector.broadcast %get3A_36 : vector<1x1xf32> to vector<1000x1xf32>
    %add3A_38 = arith.addf %dot_general3A_33, %add3A_37 : vector<1000x1xf32>
    %swap3A = arith.constant 0 : index
    %swap3A_39 = arith.constant 0 : index
    %swap3A_40 = vector.load %arg7[%swap3A, %swap3A_39] : memref<1000x1xf32, #tpu.memory_space<vmem>>, vector<1000x1xf32>
    tpu.vector_store %arg7[%swap3A, %swap3A_39], %add3A_38 {strides = array<i32>} : memref<1000x1xf32, #tpu.memory_space<vmem>>, vector<1000x1xf32>,
    return
  }
  func.func @transform_0(%arg0: i32) -> (i32, i32, i32) {
    %c0_i32 = arith.constant 0 : i32
    %c0_i32_0 = arith.constant 0 : i32
    %c0_i32_1 = arith.constant 0 : i32
    return %c0_i32, %arg0, %c0_i32_0 : i32, i32, i32
  }
  func.func @transform_1(%arg0: i32) -> (i32, i32) {
    %c0_i32 = arith.constant 0 : i32
    %c0_i32_0 = arith.constant 0 : i32
    return %arg0, %c0_i32 : i32, i32
  }
  func.func @transform_2(%arg0: i32) -> (i32, i32, i32) {
    %c0_i32 = arith.constant 0 : i32
    %c0_i32_0 = arith.constant 0 : i32
    %c0_i32_1 = arith.constant 0 : i32
    return %c0_i32, %arg0, %c0_i32_0 : i32, i32, i32
  }
  func.func @transform_3(%arg0: i32) -> (i32, i32) {
    %c0_i32 = arith.constant 0 : i32
    %c0_i32_0 = arith.constant 0 : i32
    %c0_i32_1 = arith.constant 0 : i32
    return %c0_i32, %c0_i32_0 : i32, i32
  }
  func.func @transform_4(%arg0: i32) -> (i32, i32) {
    %c0_i32 = arith.constant 0 : i32
    %c0_i32_0 = arith.constant 0 : i32
    %c0_i32_1 = arith.constant 0 : i32
    return %c0_i32, %c0_i32_0 : i32, i32
  }
  func.func @transform_5(%arg0: i32) -> (i32, i32) {
    %c0_i32 = arith.constant 0 : i32
    %c0_i32_0 = arith.constant 0 : i32
    %c0_i32_1 = arith.constant 0 : i32
    return %c0_i32, %c0_i32_0 : i32, i32
  }
  func.func @transform_6(%arg0: i32) -> (i32, i32) {
    %c0_i32 = arith.constant 0 : i32
    %c0_i32_0 = arith.constant 0 : i32
    return %arg0, %c0_i32 : i32, i32
  }
}

</mosaic_0001>

<sc_bundles>
// kernel: kernel.12.cloned.1.call-start
scs
__scs_entry_jumppad:
0x0: {  	(pc) =	sbr.rel $0x88, $3  }
0x1: {  	(tag) =	ssettag $0x0;
	lr =	simm.s32 $0x1  }
0x2: {  	[smem:$0x3F99] =	sst lr;
	_ =	strace $0xD0000000  }
0x3: {  	_ = 	snop  }
0x4: {  	_ = 	snop  }
0x5: {  	_ = 	snop  }
0x6: {  	_ = 	snop  }
0x7: {  	_ = 	snop  }
__scs_overlays_trampoline_lowered:
0x8: {  	[smem:$0x3FA8] =	sst s0  }
0x9: {  	[smem:$0x3FA9] =	sst s1  }
0xa: {  	[smem:$0x3FAA] =	sst s2  }
0xb: {  	[smem:$0x3FAB] =	sst s3  }
0xc: {  	[smem:$0x3FAC] =	sst s4  }
0xd: {  	[smem:$0x3FAD] =	sst s5  }
0xe: {  	[smem:$0x3FAE] =	sst s6  }
0xf: {  	[smem:$0x3FAF] =	sst s7  }
0x10: {  	[smem:$0x3FB0] =	sst s8  }
0x11: {  	[smem:$0x3FB1] =	sst s9;
	s0 =	simm.s32 @!p0 $0x0  }
0x12: {  	s1 =	sld [smem:$0x3F97];
	s0 =	simm.s32 @p0 $0x1  }
0x13: {  	[smem:$0x3FB2] =	sst s0;
	s0 =	simm.s32 @!p1 $0x0  }
0x14: {  	s2 =	sld [smem:$0x3F96];
	s0 =	simm.s32 @p1 $0x1  }
0x15: {  	[smem:$0x3FB3] =	sst s0;
	s0 =	simm.s32 @!p2 $0x0  }
0x16: {  	s3 =	sld [smem:$0x3FDB];
	s0 =	simm.s32 @p2 $0x1  }
0x17: {  	s4 =	simm.s32 $0x1BF5;
	[smem:$0x3FB5] =	sst s0  }
0x18: {  	s0 =	sld [smem:$0x3F98];
	_ =	swait.ge [sflag:s4], $0x0  }
0x19: {  	s7 =	sld [smem:$0x3F99]  }
0x1a: {  	s8 =	sadd.s32 $0xFFFFE003, lr  }
0x1b: {  	s9 =	sadd.s32 $0xFFFFFEF7, lr;
	s5 =	simm.s32 $0xFFFFFFFF;
	p2 =	slt.u32 s8, $0xFFFFF086  }
0x1c: {  	p1 =	slt.u32 s9, $0xF7A;
	s5 =	simm.s32 @!p2 $0x0  }
0x1d: {  	s5 =	simm.s32 @p1 $0x1;
	p0 =	seq.s32 s7, s2  }
0x1e: {  	s7 =	smul.u32 @!p0 $0xF7A, s2;
	p2 =	seq.s32 @!p0 s5, $0x0  }
0x1f: {  	s9 =	smul.u32 $0xF7A, s1;
	s8 =	simm.s32 @!p0 $0x1BF5;
	p2 =	por !p2, p0  }
0x20: {  	[sflag:s8] =	ssyncset.s32 @!p0 $0xFFFFF086;
	s6 =	sadd.s32 @!p0 s3, s7;
	s7 =	simm.s32 @!p0 $0x108  }
0x21: {  	s3 =	sadd.s32 s3, s9;
	s6 =	sadd.s32 @!p0 $0x88, s6;
	s7 =	simm.s32 @p2 $0x1082  }
0x22: {  	[simem:s7], [sflag:s8] =	dma.local @!p0 [hbm:s6], $0xF7A  }
0x23: {  	s9 =	sor.u32 $0xD0000000, s2;
	s6 =	simm.s32 $0x108;
	_ =	swait.ge @!p0 [sflag:s8], $0x0  }
0x24: {  	s3 =	sadd.s32 $0x88, s3;
	s6 =	simm.s32 @!p1 $0x1082;
	[sflag:s4] =	ssyncset.s32 $0xFFFFF086  }
0x25: {  	[simem:s6], [sflag:s4] =	dma.local [hbm:s3], $0xF7A  }
0x26: {  	[smem:$0x3F99] =	sst s1;
	(tag) =	ssettag s2;
	_ =	strace s9  }
0x27: {  	s1 =	sld [smem:$0x3FA9]  }
0x28: {  	s2 =	sld [smem:$0x3FAA]  }
0x29: {  	s4 =	sld [smem:$0x3FAC]  }
0x2a: {  	p0 =	seq.s32 s5, $0x0;
	s5 =	sld [smem:$0x3FAD]  }
0x2b: {  	s6 =	sld [smem:$0x3FAE]  }
0x2c: {  	s7 =	sld [smem:$0x3FAF]  }
0x2d: {  	s3 =	simm.s32 $0x108;
	s8 =	sld [smem:$0x3FB0]  }
0x2e: {  	s3 =	simm.s32 @!p0 $0x1082;
	s9 =	sld [smem:$0x3FB1]  }
0x2f: {  	lr =	sadd.s32 s0, s3;
	s0 =	sld [smem:$0x3FA8]  }
0x30: {  	s3 =	sld [smem:$0x3FAB]  }
0x31: {  	[smem:$0x3FB4] =	sst s10  }
0x32: {  	s10 =	sld [smem:$0x3FB2];
	_ =	sdelay $0x3  }
0x33: {  	p0 =	seq.s32 s10, $0x1;
	s10 =	sld [smem:$0x3FB4];
	_ =	sdelay $0x3  }
0x34: {  	[smem:$0x3FB4] =	sst s10  }
0x35: {  	s10 =	sld [smem:$0x3FB3];
	_ =	sdelay $0x3  }
0x36: {  	p1 =	seq.s32 s10, $0x1;
	s10 =	sld [smem:$0x3FB4];
	_ =	sdelay $0x3  }
0x37: {  	[smem:$0x3FB4] =	sst s10  }
0x38: {  	s10 =	sld [smem:$0x3FB5]  }
0x39: {  	_ = 	snop;
	(pc) =	sbr.ind lr, $3  }
0x3a: {  	_ = 	snop  }
0x3b: {  	_ = 	snop  }
0x3c: {  	p2 =	seq.s32 s10, $0x1;
	s10 =	sld [smem:$0x3FB4]  }
0x3d: {  	_ =	shalt  }
0x3e: {  	_ =	shalt  }
0x3f: {  	_ =	shalt  }
0x40: {  	_ =	shalt  }
0x41: {  	_ =	shalt  }
0x42: {  	_ =	shalt  }
0x43: {  	_ =	shalt  }
0x44: {  	_ =	shalt  }
0x45: {  	_ =	shalt  }
0x46: {  	_ =	shalt  }
0x47: {  	_ =	shalt  }
0x48: {  	_ =	shalt  }
0x49: {  	_ =	shalt  }
0x4a: {  	_ =	shalt  }
0x4b: {  	_ =	shalt  }
0x4c: {  	_ =	shalt  }
0x4d: {  	_ =	shalt  }
0x4e: {  	_ =	shalt  }
0x4f: {  	_ =	shalt  }
0x50: {  	_ =	shalt  }
0x51: {  	_ =	shalt  }
0x52: {  	_ =	shalt  }
0x53: {  	_ =	shalt  }
0x54: {  	_ =	shalt  }
0x55: {  	_ =	shalt  }
0x56: {  	_ =	shalt  }
0x57: {  	_ =	shalt  }
0x58: {  	_ =	shalt  }
0x59: {  	_ =	shalt  }
0x5a: {  	_ =	shalt  }
0x5b: {  	_ =	shalt  }
0x5c: {  	_ =	shalt  }
0x5d: {  	_ =	shalt  }
0x5e: {  	_ =	shalt  }
0x5f: {  	_ =	shalt  }
0x60: {  	_ =	shalt  }
0x61: {  	_ =	shalt  }
0x62: {  	_ =	shalt  }
0x63: {  	_ =	shalt  }
0x64: {  	_ =	shalt  }
0x65: {  	_ =	shalt  }
0x66: {  	_ =	shalt  }
0x67: {  	_ =	shalt  }
0x68: {  	_ =	shalt  }
0x69: {  	_ =	shalt  }
0x6a: {  	_ =	shalt  }
0x6b: {  	_ =	shalt  }
0x6c: {  	_ =	shalt  }
0x6d: {  	_ =	shalt  }
0x6e: {  	_ =	shalt  }
0x6f: {  	_ =	shalt  }
0x70: {  	_ =	shalt  }
0x71: {  	_ =	shalt  }
0x72: {  	_ =	shalt  }
0x73: {  	_ =	shalt  }
0x74: {  	_ =	shalt  }
0x75: {  	_ =	shalt  }
0x76: {  	_ =	shalt  }
0x77: {  	_ =	shalt  }
0x78: {  	_ =	shalt  }
0x79: {  	_ =	shalt  }
0x7a: {  	_ =	shalt  }
0x7b: {  	_ =	shalt  }
0x7c: {  	_ =	shalt  }
0x7d: {  	_ =	shalt  }
0x7e: {  	_ =	shalt  }
0x7f: {  	_ =	shalt  }
0x80: {  	_ =	shalt  }
0x81: {  	_ =	shalt  }
0x82: {  	_ =	shalt  }
0x83: {  	_ =	shalt  }
0x84: {  	_ =	shalt  }
0x85: {  	_ =	shalt  }
0x86: {  	_ =	shalt  }
0x87: {  	_ =	shalt  }
.Lfunc_end0:
.L_simem_size_0:
called_computation.1_lowered:
.L_overlay_start_0:
0x88: {  	s2 =	sld [smem:$0x3FD9]  }
0x89: {  	s3 =	sld [smem:$0x3FFE];
	_ =	sdelay $0x1  }
0x8a: {  	s1 =	srdreg.scid  }
0x8b: {  	s0 =	sand.u32 $0x1, s1  }
0x8c: {  	s16 =	sshll.u32 s0, $0xA;
	s2 =	sadd.s32 s3, s2  }
0x8d: {  	s2 =	sadd.s32 s2, s16  }
0x8e: {  	[smem:$0x3FC0] =	sst s2  }
0x8f: {  	_ = 	snop  }
0x90: {  	(tm) =	ssettm $0x1  }
0x91: {  	s17 =	sld [smem:$0x3FFB];
	_ =	sdelay $0x3  }
0x92: {  	_ =	strace s17  }
0x93: {  	s2 =	sld [smem:$0x3FFC];
	_ =	sdelay $0x3  }
0x94: {  	_ =	strace s2  }
0x95: {  	s2 =	sld [smem:$0x3FFD];
	_ =	sdelay $0x3  }
0x96: {  	_ =	strace s2  }
0x97: {  	_ =	strace $0x8FFFFFFF  }
0x98: {  	s18 =	sld [smem:$0x3FDB];
	_ =	sdelay $0x1  }
0x99: {  	s19 =	simm.s32 $_scs_section_size  }
0x9a: {  	s4 =	simm.s32 $_size__tile_overlayer_lowered;
	s5 =	simm.s32 $_tile_overlayer_lowered  }
0x9b: {  	s22 =	simm.s32 $0x1BFF;
	s21 =	sshll.u32 s5, $0x1;
	s2 =	sadd.s32 s19, s18  }
0x9c: {  	s6 =	simm.s32 $0x0;
	s20 =	sshll.u32 s4, $0x1;
	s4 =	sadd.s32 s21, s2  }
0x9d: {  	[timem:s6], [sflag:s22] =	dma.local [hbm:s4], s20  }
0x9e: {  	_ =	swait.ge [sflag:s22], s20  }
0x9f: {  	s3 =	ssub.s32 $0x0, s20;
	[sflag:s22] =	ssyncset.done $0x0  }
0xa0: {  	[sflag:s22] =	ssyncadd.s32 s3;
	_ =	sdelay $0x1  }
0xa1: {  	s23 =	simm.s32 $0x1B8B  }
0xa2: {  	_ =	swait.ge [sflag:s23], $0x1  }
0xa3: {  	[sflag:s23] =	ssyncset.done $0x0  }
0xa4: {  	s25 =	simm.s32 $0x1B8E;
	s24 =	sld [smem:$0x3FFE];
	[sflag:s23] =	ssyncadd.s32 $0xFFFFFFFF  }
0xa5: {  	s26 =	simm.s32 $execute0_lowered;
	[smem:$0x3FD2] =	sst s25  }
0xa6: {  	s4 =	sshll.u32 s26, $0x1;
	_ =	strace $0x80000049;
	[dreg:$0x1] =	wrdreg $0xFFFFFFFF  }
0xa7: {  	s28 =	simm.s32 $_size_execute0_lowered;
	s2 =	sadd.s32 s2, s4;
	[dreg:$0x0] =	wrdreg $0x0  }
0xa8: {  	s4 =	sshll.u32 s28, $0x1;
	[dreg:$0x2] =	wrdreg s2  }
0xa9: {  	[dreg:$0x3] =	wrdreg s4  }
0xaa: {  	[dreg:$0x4] =	wrdreg $0xC0  }
0xab: {  	_ =	task [dreg:s6], $0x5FFFF  }
0xac: {  	[dreg:$0x1] =	wrdreg $0xFFFFFFFF  }
0xad: {  	[dreg:$0x0] =	wrdreg $0x60  }
0xae: {  	[dreg:$0x2] =	wrdreg s24  }
0xaf: {  	[dreg:$0x3] =	wrdreg $0xC7800  }
0xb0: {  	[dreg:$0x4] =	wrdreg $0x9  }
0xb1: {  	_ =	task.clear_ibuf [dreg:s6], $0x5FFFF;
	_ =	strace $0x90000049  }
0xb2: {  	s29 =	simm.s32 $0x9;
	_ =	strace $0x8000004B  }
0xb3: {  	_ =	swait.ge [sflag:s29], $0x1  }
0xb4: {  	[sflag:s29] =	ssyncadd.s32 $0xFFFFFFFF  }
0xb5: {  	_ =	strace $0x9000004B  }
0xb6: {  	_ =	sfence  }
0xb7: {  	s30 =	sld [smem:$0x0];
	_ =	sdelay $0x2  }
0xb8: {  	s31 =	sshll.u32 s1, $0xD;
	s1 =	sshrl.u32 s1, $0x2  }
0xb9: {  	s3 =	sand.u32 $0x4000, s31;
	s1 =	sadd.s32 s1, s30  }
0xba: {  	s0 =	sor.u32 s3, s0;
	s1 =	sshll.u32 s1, $0x11  }
0xbb: {  	s0 =	sor.u32 s1, s0  }
0xbc: {  	s0 =	sadd.s32 $0x8F2B, s0  }
0xbd: {  	[sflag:s0] =	ssyncadd.remote.s32 $0x1  }
0xbe: {  	_ =	sfence.sel $0xFFFF  }
0xbf: {  	[dreg:$0x0] =	wrdreg $0xFFFFFFFF;
	(pc) =	sbr.abs _section_cstart, $3  }
0xc0: {  	[dreg:$0x1] =	wrdreg $0xFFFFFFFF  }
0xc1: {  	_ =	task.clear_ibuf [dreg:s6], $0x2FFFF;
	_ =	strace $0x9FFFFFFF  }
0xc2: {  	(tm) =	ssettm $0x7FFFFFFF  }
0xc3: {  	_ =	shalt  }
tec
execute0_lowered:
.L_overlay_start_1:
0x0: {  	(tag) =	ssettag $0x1  }
0x1: {  	s6 =	rddreg [dreg:$0x0]  }
0x2: {  	s0 =	srdreg.scid;
	s2 =	rddreg [dreg:$0x1]  }
0x3: {  	s3 =	simm.s32 $0x0;
	s16 =	simm.s32 $0x400;
	s17 =	simm.s32 $0x5  }
0x4: {  	s18 =	simm.s32 $0x2780;
	s19 =	simm.s32 $0x70;
	s20 =	simm.s32 $0x5780  }
0x5: {  	s21 =	simm.s32 $0x1;
	s22 =	simm.s32 $0x8F80;
	s23 =	simm.s32 $0x2  }
0x6: {  	s24 =	simm.s32 $0x3;
	s25 =	simm.s32 $0x4;
	s26 =	simm.s32 $0x5400  }
0x7: {  	s28 =	simm.s32 $0x0;
	s5 =	sand.u32 $0x1, s0;
	s0 =	stileid.u32  }
0x8: {  	[smem:$0x7FF] =	sst s3;
	s10 =	sadd.s32 $0x99600, s6;
	s9 =	smul.u32 $0x4E000, s0  }
0x9: {  	s1 =	sshll.u32 s5, $0x4;
	s8 =	sshll.u32 s0, $0x7;
	s12 =	smul.u32 $0x2700, s0  }
0xa: {  	_ =	strace $0x8000004A;
	s11 =	ssub.s32 $0x2, s5;
	s14 =	smul.u32 $0x138800, s5  }
0xb: {  	s30 =	smul.u32 $0x13800, s0;
	p0 =	seq.s32 s0, $0xF;
	s4 =	sor.u32 s0, s1  }
0xc: {  	s8 =	sand.u32 $0x380, s8;
	s13 =	sshrl.u32 s11, $0x1;
	s1 =	sshrl.u32 s4, $0x3  }
0xd: {  	s29 =	smul.u32 $0x600, s4;
	s4 =	sadd.s32 $0x72400, s6;
	s9 =	sshrl.u32 s9, $0x2  }
0xe: {  	s11 =	ssub.s32 s11, s13;
	s31 =	sshrl.u32 s14, $0x3;
	s7 =	smul.u32 $0x13C00, s1  }
0xf: {  	s15 =	sadd.s32 s9, s2;
	s5 =	sadd.s32 s4, s12;
	s12 =	sadd.s32 $0x124800, s2  }
0x10: {  	s9 =	sadd.s32 s30, s14;
	s13 =	sadd.s32 s10, s31;
	s11 =	smax.u32 s11, $0x1  }
0x11: {  	s9 =	sshrl.u32 s9, $0x3;
	s12 =	sshrl.u32 @p0 s12, $0x3;
	s14 =	sshrl.u32 @!p0 s15, $0x3  }
0x12: {  	s15 =	simm.s32 $0x80;
	s7 =	sor.u32 s8, s7;
	s8 =	sadd.s32 s29, s6  }
0x13: {  	s9 =	sadd.s32 s10, s9;
	s10 =	sadd.s32 $0x24900, s13;
	s7 =	sshrl.u32 s7, $0x3  }
0x14: {  	s13 =	sshll.u32 @!p0 s0, $0x6;
	s8 =	sadd.s32 $0x5C600, s8;
	s7 =	sadd.s32 s7, s6  }
0x15: {  	s13 =	sor.u32 @!p0 $0x1C05, s13;
	s6 =	sadd.s32 $0x96D00, s6;
	s7 =	sadd.s32 $0x68600, s7  }
.LBB2_1:
0x16: {  	s29 =	simm.s32 @p0 $0x1FC5  }
0x17: {  	[spmem:s12], [sflag:s29] =	dma.local @p0 [hbm:s6], $0x2800  }
0x18: {  	s29 =	simm.s32 @p0 $0x5  }
0x19: {  	_ =	swait.ge @p0 [sflag:s29], $0x2800  }
0x1a: {  	[sflag:s29] =	ssyncset.done @p0 $0x0  }
0x1b: {  	[sflag:s29] =	ssyncadd.s32 @p0 $0xFFFFD800;
	s29 =	simm.s32 @!p0 $0x5  }
0x1c: {  	[spmem:s14], [sflag:s13] =	dma.local @!p0 [hbm:s5], $0x2700  }
0x1d: {  	_ =	swait.ge @!p0 [sflag:s29], $0x2700  }
0x1e: {  	[sflag:s29] =	ssyncset.done @!p0 $0x0  }
0x1f: {  	[sflag:s29] =	ssyncadd.s32 @!p0 $0xFFFFD900  }
0x20: {  	[tilespmem:s3], [sflag:$0x5] =	stream.strided.gather [hbm4b:s7+s15], $0x2780, s16, s15, $0x38;
	v63 =	vld [tilespmem:$0x0]  }
0x21: {  	_ =	swait.ge [sflag:s17], $0x2780  }
0x22: {  	[sflag:s17] =	ssyncset.done $0x0  }
0x23: {  	[sflag:s17] =	ssyncadd.s32 $0xFFFFD880  }
0x24: {  	[tilespmem:s18], [sflag:$0x5] =	stream.linear.gather [hbm4b:s8+s3], $0x2D00, $0x38;
	v63 =	vld [tilespmem:$0x0]  }
0x25: {  	_ =	swait.ge [sflag:s17], $0x2D00  }
0x26: {  	[sflag:s17] =	ssyncset.done $0x0  }
0x27: {  	[sflag:s17] =	ssyncadd.s32 $0xFFFFD300  }
0x28: {  	[bflag:$0x0] =	sbarrier.arrive $0xFFFF  }
0x29: {  	[tilespmem:s20], [sflag:$0x1] =	stream.indirect.gather [hbm4b:s4+s19], $0x80, s3, s19, $0xb8;
	v63 =	vld [tilespmem:$0x0]  }
0x2a: {  	_ =	swait.ge [sflag:s21], $0x3800  }
0x2b: {  	[sflag:s21] =	ssyncset.done $0x0  }
0x2c: {  	[sflag:s21] =	ssyncadd.s32 $0xFFFFC800  }
0x2d: {  	[spmem:s2] =	stream.indirect.scatter.add.f32 [tilespmem:s20], [sflag:$0x3], $0x80, s18, s19, $0xb8;
	v63 =	vld [tilespmem:$0x0]  }
0x2e: {  	_ = 	snop  }
0x2f: {  	[tilespmem:s22], [sflag:$0x2] =	stream.indirect.gather [hbm4b:s4+s19], $0x80, s19, s19, $0xb8;
	v63 =	vld [tilespmem:$0x0]  }
0x30: {  	_ =	swait.ge [sflag:s23], $0x3800  }
0x31: {  	[sflag:s23] =	ssyncset.done $0x0  }
0x32: {  	s29 =	simm.s32 $0x2800;
	[sflag:s23] =	ssyncadd.s32 $0xFFFFC800  }
0x33: {  	[spmem:s2] =	stream.indirect.scatter.add.f32 [tilespmem:s22], [sflag:$0x4], $0x80, s29, s19, $0xb8;
	v63 =	vld [tilespmem:$0x0]  }
0x34: {  	_ =	swait.ge [sflag:s24], $0x3800  }
0x35: {  	[sflag:s24] =	ssyncset.done $0x0  }
0x36: {  	s29 =	simm.s32 $0xE0;
	[sflag:s24] =	ssyncadd.s32 $0xFFFFC800  }
0x37: {  	[tilespmem:s20], [sflag:$0x1] =	stream.indirect.gather [hbm4b:s4+s19], $0x80, s29, s19, $0xb8;
	v63 =	vld [tilespmem:$0x0]  }
0x38: {  	_ =	swait.ge [sflag:s21], $0x3800  }
0x39: {  	[sflag:s21] =	ssyncset.done $0x0  }
0x3a: {  	s29 =	simm.s32 $0x2880;
	[sflag:s21] =	ssyncadd.s32 $0xFFFFC800  }
0x3b: {  	[spmem:s2] =	stream.indirect.scatter.add.f32 [tilespmem:s20], [sflag:$0x3], $0x80, s29, s19, $0xb8;
	v63 =	vld [tilespmem:$0x0]  }
0x3c: {  	_ =	swait.ge [sflag:s25], $0x3800  }
0x3d: {  	s31 =	simm.s32 $0x150;
	[sflag:s25] =	ssyncset.done $0x0  }
0x3e: {  	s30 =	simm.s32 $0x2900;
	s29 =	simm.s32 $0xFFFF6980;
	[sflag:s25] =	ssyncadd.s32 $0xFFFFC800  }
.LBB2_2:
0x3f: {  	[tilespmem:s22], [sflag:$0x2] =	stream.indirect.gather [hbm4b:s4+s19], $0x80, s31, s19, $0xb8;
	v63 =	vld [tilespmem:$0x0]  }
0x40: {  	s31 =	smov.u32 s29  }
0x41: {  	p1 =	sne.s32 s29, $0xFFFFFC80;
	s29 =	sadd.s32 $0x380, s29;
	_ =	swait.ge [sflag:s23], $0x3800  }
0x42: {  	[sflag:s23] =	ssyncset.done $0x0  }
0x43: {  	[sflag:s23] =	ssyncadd.s32 $0xFFFFC800  }
0x44: {  	[spmem:s2] =	stream.indirect.scatter.add.f32 [tilespmem:s22], [sflag:$0x4], $0x80, s30, s19, $0xb8;
	v63 =	vld [tilespmem:$0x0]  }
0x45: {  	_ =	swait.ge [sflag:s24], $0x3800  }
0x46: {  	s31 =	sshra.s32 s31, $0x2;
	[sflag:s24] =	ssyncset.done $0x0  }
0x47: {  	s1 =	sadd.s32 $0x2760, s31;
	[sflag:s24] =	ssyncadd.s32 $0xFFFFC800  }
0x48: {  	[tilespmem:s20], [sflag:$0x1] =	stream.indirect.gather [hbm4b:s4+s19], $0x80, s1, s19, $0xb8;
	v63 =	vld [tilespmem:$0x0]  }
0x49: {  	_ =	swait.ge [sflag:s21], $0x3800  }
0x4a: {  	[sflag:s21] =	ssyncset.done $0x0  }
.Ltmp0:
0x4b: {  	s1 =	sadd.s32 $0x80, s30;
	[sflag:s21] =	ssyncadd.s32 $0xFFFFC800;
	(pc) =	sbr.rel @p1 .LBB2_2-.Ltmp0, $4  }
0x4c: {  	[spmem:s2] =	stream.indirect.scatter.add.f32 [tilespmem:s20], [sflag:$0x3], $0x80, s1, s19, $0xb8;
	v63 =	vld [tilespmem:$0x0]  }
0x4d: {  	_ =	swait.ge [sflag:s25], $0x3800  }
0x4e: {  	[sflag:s25] =	ssyncset.done $0x0  }
0x4f: {  	s31 =	sadd.s32 $0x27D0, s31;
	s30 =	sadd.s32 $0x100, s30;
	[sflag:s25] =	ssyncadd.s32 $0xFFFFC800  }
0x50: {  	[tilespmem:s22], [sflag:$0x2] =	stream.indirect.gather [hbm4b:s4+s19], $0x80, s31, s19, $0xb8;
	v63 =	vld [tilespmem:$0x0]  }
0x51: {  	_ =	swait.ge [sflag:s23], $0x3800  }
0x52: {  	[sflag:s23] =	ssyncset.done $0x0  }
0x53: {  	[sflag:s23] =	ssyncadd.s32 $0xFFFFC800  }
0x54: {  	[spmem:s2] =	stream.indirect.scatter.add.f32 [tilespmem:s22], [sflag:$0x4], $0x80, s26, s19, $0xb8;
	v63 =	vld [tilespmem:$0x0]  }
0x55: {  	_ =	swait.ge [sflag:s24], $0x3800  }
0x56: {  	[sflag:s24] =	ssyncset.done $0x0  }
0x57: {  	[sflag:s24] =	ssyncadd.s32 $0xFFFFC800  }
0x58: {  	_ =	swait.ge [sflag:s25], $0x3800  }
0x59: {  	[sflag:s25] =	ssyncset.done $0x0  }
0x5a: {  	[sflag:s25] =	ssyncadd.s32 $0xFFFFC800  }
0x5b: {  	s1 =	simm.s32 @p0 $0x1FC5;
	[bflag:$0x0] =	sbarrier.arrive $0xFFFF  }
0x5c: {  	[hbm:s10], [sflag:s1] =	dma.local @p0 [spmem:s12], $0x2800  }
0x5d: {  	s1 =	simm.s32 @p0 $0x5  }
0x5e: {  	s28 =	sadd.s32 $0x1, s28;
	_ =	swait.ge @p0 [sflag:s1], $0x2800  }
0x5f: {  	p1 =	sne.s32 s28, s11;
	[sflag:s1] =	ssyncset.done @p0 $0x0  }
.Ltmp1:
0x60: {  	[sflag:s1] =	ssyncadd.s32 @p0 $0xFFFFD800;
	s1 =	simm.s32 @!p0 $0x5;
	(pc) =	sbr.rel @p1 .LBB2_1-.Ltmp1, $4  }
0x61: {  	[hbm:s9], [sflag:s13] =	dma.local @!p0 [spmem:s14], $0x2700  }
0x62: {  	_ =	swait.ge @!p0 [sflag:s1], $0x2700  }
0x63: {  	[sflag:s1] =	ssyncset.done @!p0 $0x0  }
0x64: {  	[sflag:s1] =	ssyncadd.s32 @!p0 $0xFFFFD900  }
0x65: {  	_ =	sfence.sel $0x180000  }
0x66: {  	[bflag:$0x0] =	sbarrier.arrive $0xFFFF  }
0x67: {  	_ =	strace $0x9000004A  }
0x68: {  	[bflag:$0x2] =	sbarrier.arrive $0xFFFF  }
0x69: {  	p0 =	sne.s32 s0, $0x0;
	s0 =	rddreg [dreg:$0x2]  }
0x6a: {  	s0 =	sadd.s32 @!p0 $0x100000, s0  }
0x6b: {  	[sflag:s0] =	ssyncadd.tile.s32 @!p0 $0x1;
	_ =	shalt  }
.Lfunc_end2:
_tile_overlayer_lowered:
.L_overlay_start_2:
0x6c: {  	(tag) =	ssettag $0x2  }
0x6d: {  	s0 =	rddreg [dreg:$0x0];
	s2 =	stileid.u32  }
0x6e: {  	s1 =	rddreg [dreg:$0x1];
	p0 =	sne.s32 s2, $0x0  }
0x6f: {  	s3 =	rddreg [dreg:$0x2];
	[bflag:$0x3] =	sbarrier.arrive $0xFFFF;
	s2 =	simm.s32 @!p0 $0x1C05  }
0x70: {  	[timem:s3], [sflag:s2] =	dma.local @!p0 [hbm:s0], s1  }
0x71: {  	s0 =	simm.s32 @!p0 $0x5  }
0x72: {  	_ =	swait.ge @!p0 [sflag:s0], s1  }
0x73: {  	s1 =	ssub.s32 @!p0 $0x0, s1;
	[sflag:s0] =	ssyncset.done @!p0 $0x0  }
0x74: {  	[sflag:s0] =	ssyncadd.s32 @!p0 s1  }
0x75: {  	[bflag:$0x3] =	sbarrier.arrive $0xFFFF  }
0x76: {  	_ =	shalt  }

// kernel: kernel.15.cloned.1.call-start
scs
__scs_entry_jumppad:
0x0: {  	(pc) =	sbr.rel $0x88, $3  }
0x1: {  	(tag) =	ssettag $0x0;
	lr =	simm.s32 $0x1  }
0x2: {  	[smem:$0x3F99] =	sst lr;
	_ =	strace $0xD0000000  }
0x3: {  	_ = 	snop  }
0x4: {  	_ = 	snop  }
0x5: {  	_ = 	snop  }
0x6: {  	_ = 	snop  }
0x7: {  	_ = 	snop  }
__scs_overlays_trampoline_lowered:
0x8: {  	[smem:$0x3FA8] =	sst s0  }
0x9: {  	[smem:$0x3FA9] =	sst s1  }
0xa: {  	[smem:$0x3FAA] =	sst s2  }
0xb: {  	[smem:$0x3FAB] =	sst s3  }
0xc: {  	[smem:$0x3FAC] =	sst s4  }
0xd: {  	[smem:$0x3FAD] =	sst s5  }
0xe: {  	[smem:$0x3FAE] =	sst s6  }
0xf: {  	[smem:$0x3FAF] =	sst s7  }
0x10: {  	[smem:$0x3FB0] =	sst s8  }
0x11: {  	[smem:$0x3FB1] =	sst s9;
	s0 =	simm.s32 @!p0 $0x0  }
0x12: {  	s1 =	sld [smem:$0x3F97];
	s0 =	simm.s32 @p0 $0x1  }
0x13: {  	[smem:$0x3FB2] =	sst s0;
	s0 =	simm.s32 @!p1 $0x0  }
0x14: {  	s2 =	sld [smem:$0x3F96];
	s0 =	simm.s32 @p1 $0x1  }
0x15: {  	[smem:$0x3FB3] =	sst s0;
	s0 =	simm.s32 @!p2 $0x0  }
0x16: {  	s3 =	sld [smem:$0x3FDB];
	s0 =	simm.s32 @p2 $0x1  }
0x17: {  	s4 =	simm.s32 $0x1BF5;
	[smem:$0x3FB5] =	sst s0  }
0x18: {  	s0 =	sld [smem:$0x3F98];
	_ =	swait.ge [sflag:s4], $0x0  }
0x19: {  	s7 =	sld [smem:$0x3F99]  }
0x1a: {  	s8 =	sadd.s32 $0xFFFFE003, lr  }
0x1b: {  	s9 =	sadd.s32 $0xFFFFFEF7, lr;
	s5 =	simm.s32 $0xFFFFFFFF;
	p2 =	slt.u32 s8, $0xFFFFF086  }
0x1c: {  	p1 =	slt.u32 s9, $0xF7A;
	s5 =	simm.s32 @!p2 $0x0  }
0x1d: {  	s5 =	simm.s32 @p1 $0x1;
	p0 =	seq.s32 s7, s2  }
0x1e: {  	s7 =	smul.u32 @!p0 $0xF7A, s2;
	p2 =	seq.s32 @!p0 s5, $0x0  }
0x1f: {  	s9 =	smul.u32 $0xF7A, s1;
	s8 =	simm.s32 @!p0 $0x1BF5;
	p2 =	por !p2, p0  }
0x20: {  	[sflag:s8] =	ssyncset.s32 @!p0 $0xFFFFF086;
	s6 =	sadd.s32 @!p0 s3, s7;
	s7 =	simm.s32 @!p0 $0x108  }
0x21: {  	s3 =	sadd.s32 s3, s9;
	s6 =	sadd.s32 @!p0 $0x88, s6;
	s7 =	simm.s32 @p2 $0x1082  }
0x22: {  	[simem:s7], [sflag:s8] =	dma.local @!p0 [hbm:s6], $0xF7A  }
0x23: {  	s9 =	sor.u32 $0xD0000000, s2;
	s6 =	simm.s32 $0x108;
	_ =	swait.ge @!p0 [sflag:s8], $0x0  }
0x24: {  	s3 =	sadd.s32 $0x88, s3;
	s6 =	simm.s32 @!p1 $0x1082;
	[sflag:s4] =	ssyncset.s32 $0xFFFFF086  }
0x25: {  	[simem:s6], [sflag:s4] =	dma.local [hbm:s3], $0xF7A  }
0x26: {  	[smem:$0x3F99] =	sst s1;
	(tag) =	ssettag s2;
	_ =	strace s9  }
0x27: {  	s1 =	sld [smem:$0x3FA9]  }
0x28: {  	s2 =	sld [smem:$0x3FAA]  }
0x29: {  	s4 =	sld [smem:$0x3FAC]  }
0x2a: {  	p0 =	seq.s32 s5, $0x0;
	s5 =	sld [smem:$0x3FAD]  }
0x2b: {  	s6 =	sld [smem:$0x3FAE]  }
0x2c: {  	s7 =	sld [smem:$0x3FAF]  }
0x2d: {  	s3 =	simm.s32 $0x108;
	s8 =	sld [smem:$0x3FB0]  }
0x2e: {  	s3 =	simm.s32 @!p0 $0x1082;
	s9 =	sld [smem:$0x3FB1]  }
0x2f: {  	lr =	sadd.s32 s0, s3;
	s0 =	sld [smem:$0x3FA8]  }
0x30: {  	s3 =	sld [smem:$0x3FAB]  }
0x31: {  	[smem:$0x3FB4] =	sst s10  }
0x32: {  	s10 =	sld [smem:$0x3FB2];
	_ =	sdelay $0x3  }
0x33: {  	p0 =	seq.s32 s10, $0x1;
	s10 =	sld [smem:$0x3FB4];
	_ =	sdelay $0x3  }
0x34: {  	[smem:$0x3FB4] =	sst s10  }
0x35: {  	s10 =	sld [smem:$0x3FB3];
	_ =	sdelay $0x3  }
0x36: {  	p1 =	seq.s32 s10, $0x1;
	s10 =	sld [smem:$0x3FB4];
	_ =	sdelay $0x3  }
0x37: {  	[smem:$0x3FB4] =	sst s10  }
0x38: {  	s10 =	sld [smem:$0x3FB5]  }
0x39: {  	_ = 	snop;
	(pc) =	sbr.ind lr, $3  }
0x3a: {  	_ = 	snop  }
0x3b: {  	_ = 	snop  }
0x3c: {  	p2 =	seq.s32 s10, $0x1;
	s10 =	sld [smem:$0x3FB4]  }
0x3d: {  	_ =	shalt  }
0x3e: {  	_ =	shalt  }
0x3f: {  	_ =	shalt  }
0x40: {  	_ =	shalt  }
0x41: {  	_ =	shalt  }
0x42: {  	_ =	shalt  }
0x43: {  	_ =	shalt  }
0x44: {  	_ =	shalt  }
0x45: {  	_ =	shalt  }
0x46: {  	_ =	shalt  }
0x47: {  	_ =	shalt  }
0x48: {  	_ =	shalt  }
0x49: {  	_ =	shalt  }
0x4a: {  	_ =	shalt  }
0x4b: {  	_ =	shalt  }
0x4c: {  	_ =	shalt  }
0x4d: {  	_ =	shalt  }
0x4e: {  	_ =	shalt  }
0x4f: {  	_ =	shalt  }
0x50: {  	_ =	shalt  }
0x51: {  	_ =	shalt  }
0x52: {  	_ =	shalt  }
0x53: {  	_ =	shalt  }
0x54: {  	_ =	shalt  }
0x55: {  	_ =	shalt  }
0x56: {  	_ =	shalt  }
0x57: {  	_ =	shalt  }
0x58: {  	_ =	shalt  }
0x59: {  	_ =	shalt  }
0x5a: {  	_ =	shalt  }
0x5b: {  	_ =	shalt  }
0x5c: {  	_ =	shalt  }
0x5d: {  	_ =	shalt  }
0x5e: {  	_ =	shalt  }
0x5f: {  	_ =	shalt  }
0x60: {  	_ =	shalt  }
0x61: {  	_ =	shalt  }
0x62: {  	_ =	shalt  }
0x63: {  	_ =	shalt  }
0x64: {  	_ =	shalt  }
0x65: {  	_ =	shalt  }
0x66: {  	_ =	shalt  }
0x67: {  	_ =	shalt  }
0x68: {  	_ =	shalt  }
0x69: {  	_ =	shalt  }
0x6a: {  	_ =	shalt  }
0x6b: {  	_ =	shalt  }
0x6c: {  	_ =	shalt  }
0x6d: {  	_ =	shalt  }
0x6e: {  	_ =	shalt  }
0x6f: {  	_ =	shalt  }
0x70: {  	_ =	shalt  }
0x71: {  	_ =	shalt  }
0x72: {  	_ =	shalt  }
0x73: {  	_ =	shalt  }
0x74: {  	_ =	shalt  }
0x75: {  	_ =	shalt  }
0x76: {  	_ =	shalt  }
0x77: {  	_ =	shalt  }
0x78: {  	_ =	shalt  }
0x79: {  	_ =	shalt  }
0x7a: {  	_ =	shalt  }
0x7b: {  	_ =	shalt  }
0x7c: {  	_ =	shalt  }
0x7d: {  	_ =	shalt  }
0x7e: {  	_ =	shalt  }
0x7f: {  	_ =	shalt  }
0x80: {  	_ =	shalt  }
0x81: {  	_ =	shalt  }
0x82: {  	_ =	shalt  }
0x83: {  	_ =	shalt  }
0x84: {  	_ =	shalt  }
0x85: {  	_ =	shalt  }
0x86: {  	_ =	shalt  }
0x87: {  	_ =	shalt  }
.Lfunc_end0:
.L_simem_size_0:
called_computation.2_lowered:
.L_overlay_start_0:
0x88: {  	s2 =	sld [smem:$0x3FD9]  }
0x89: {  	s3 =	sld [smem:$0x3FFE];
	_ =	sdelay $0x1  }
0x8a: {  	s1 =	srdreg.scid  }
0x8b: {  	s0 =	sand.u32 $0x1, s1  }
0x8c: {  	s16 =	sshll.u32 s0, $0xA;
	s2 =	sadd.s32 s3, s2  }
0x8d: {  	s2 =	sadd.s32 s2, s16  }
0x8e: {  	[smem:$0x3FC0] =	sst s2  }
0x8f: {  	_ = 	snop  }
0x90: {  	(tm) =	ssettm $0x1  }
0x91: {  	s17 =	sld [smem:$0x3FFB];
	_ =	sdelay $0x3  }
0x92: {  	_ =	strace s17  }
0x93: {  	s2 =	sld [smem:$0x3FFC];
	_ =	sdelay $0x3  }
0x94: {  	_ =	strace s2  }
0x95: {  	s2 =	sld [smem:$0x3FFD];
	_ =	sdelay $0x3  }
0x96: {  	_ =	strace s2  }
0x97: {  	_ =	strace $0x8FFFFFFF  }
0x98: {  	s18 =	sld [smem:$0x3FDB];
	_ =	sdelay $0x1  }
0x99: {  	s19 =	simm.s32 $_scs_section_size  }
0x9a: {  	s4 =	simm.s32 $_size__tile_overlayer_lowered;
	s5 =	simm.s32 $_tile_overlayer_lowered  }
0x9b: {  	s22 =	simm.s32 $0x1BFF;
	s21 =	sshll.u32 s5, $0x1;
	s2 =	sadd.s32 s19, s18  }
0x9c: {  	s6 =	simm.s32 $0x0;
	s20 =	sshll.u32 s4, $0x1;
	s4 =	sadd.s32 s21, s2  }
0x9d: {  	[timem:s6], [sflag:s22] =	dma.local [hbm:s4], s20  }
0x9e: {  	_ =	swait.ge [sflag:s22], s20  }
0x9f: {  	s3 =	ssub.s32 $0x0, s20;
	[sflag:s22] =	ssyncset.done $0x0  }
0xa0: {  	[sflag:s22] =	ssyncadd.s32 s3;
	_ =	sdelay $0x1  }
0xa1: {  	s23 =	simm.s32 $0x1B8B  }
0xa2: {  	_ =	swait.ge [sflag:s23], $0x1  }
0xa3: {  	[sflag:s23] =	ssyncset.done $0x0  }
0xa4: {  	s25 =	simm.s32 $0x1B8E;
	s24 =	sld [smem:$0x3FFE];
	[sflag:s23] =	ssyncadd.s32 $0xFFFFFFFF  }
0xa5: {  	s26 =	simm.s32 $execute0_lowered;
	[smem:$0x3FD2] =	sst s25  }
0xa6: {  	s4 =	sshll.u32 s26, $0x1;
	_ =	strace $0x8000004C;
	[dreg:$0x1] =	wrdreg $0xFFFFFFFF  }
0xa7: {  	s28 =	simm.s32 $_size_execute0_lowered;
	s2 =	sadd.s32 s2, s4;
	[dreg:$0x0] =	wrdreg $0x0  }
0xa8: {  	s4 =	sshll.u32 s28, $0x1;
	[dreg:$0x2] =	wrdreg s2  }
0xa9: {  	[dreg:$0x3] =	wrdreg s4  }
0xaa: {  	[dreg:$0x4] =	wrdreg $0xC0  }
0xab: {  	_ =	task [dreg:s6], $0x5FFFF  }
0xac: {  	[dreg:$0x1] =	wrdreg $0xFFFFFFFF  }
0xad: {  	[dreg:$0x0] =	wrdreg $0x60  }
0xae: {  	[dreg:$0x2] =	wrdreg s24  }
0xaf: {  	[dreg:$0x3] =	wrdreg $0xC7800  }
0xb0: {  	[dreg:$0x4] =	wrdreg $0x9  }
0xb1: {  	_ =	task.clear_ibuf [dreg:s6], $0x5FFFF;
	_ =	strace $0x9000004C  }
0xb2: {  	s29 =	simm.s32 $0x9;
	_ =	strace $0x8000004E  }
0xb3: {  	_ =	swait.ge [sflag:s29], $0x1  }
0xb4: {  	[sflag:s29] =	ssyncadd.s32 $0xFFFFFFFF  }
0xb5: {  	_ =	strace $0x9000004E  }
0xb6: {  	_ =	sfence  }
0xb7: {  	s30 =	sld [smem:$0x0];
	_ =	sdelay $0x2  }
0xb8: {  	s31 =	sshll.u32 s1, $0xD;
	s1 =	sshrl.u32 s1, $0x2  }
0xb9: {  	s3 =	sand.u32 $0x4000, s31;
	s1 =	sadd.s32 s1, s30  }
0xba: {  	s0 =	sor.u32 s3, s0;
	s1 =	sshll.u32 s1, $0x11  }
0xbb: {  	s0 =	sor.u32 s1, s0  }
0xbc: {  	s0 =	sadd.s32 $0x8F2B, s0  }
0xbd: {  	[sflag:s0] =	ssyncadd.remote.s32 $0x1  }
0xbe: {  	_ =	sfence.sel $0xFFFF  }
0xbf: {  	[dreg:$0x0] =	wrdreg $0xFFFFFFFF;
	(pc) =	sbr.abs _section_cstart, $3  }
0xc0: {  	[dreg:$0x1] =	wrdreg $0xFFFFFFFF  }
0xc1: {  	_ =	task.clear_ibuf [dreg:s6], $0x2FFFF;
	_ =	strace $0x9FFFFFFF  }
0xc2: {  	(tm) =	ssettm $0x7FFFFFFF  }
0xc3: {  	_ =	shalt  }
tec
execute0_lowered:
.L_overlay_start_1:
0x0: {  	(tag) =	ssettag $0x1  }
0x1: {  	s6 =	rddreg [dreg:$0x0]  }
0x2: {  	s0 =	srdreg.scid;
	s2 =	rddreg [dreg:$0x1]  }
0x3: {  	s3 =	simm.s32 $0x0;
	s16 =	simm.s32 $0x400;
	s17 =	simm.s32 $0x5  }
0x4: {  	s18 =	simm.s32 $0x2780;
	s19 =	simm.s32 $0x70;
	s20 =	simm.s32 $0x5780  }
0x5: {  	s21 =	simm.s32 $0x1;
	s22 =	simm.s32 $0x8F80;
	s23 =	simm.s32 $0x2  }
0x6: {  	s24 =	simm.s32 $0x3;
	s25 =	simm.s32 $0x4;
	s26 =	simm.s32 $0x5400  }
0x7: {  	s28 =	simm.s32 $0x0;
	s5 =	sand.u32 $0x1, s0;
	s0 =	stileid.u32  }
0x8: {  	[smem:$0x7FF] =	sst s3;
	s10 =	sadd.s32 $0x99600, s6;
	s9 =	smul.u32 $0x4E000, s0  }
0x9: {  	s1 =	sshll.u32 s5, $0x4;
	s8 =	sshll.u32 s0, $0x7;
	s12 =	smul.u32 $0x2700, s0  }
0xa: {  	_ =	strace $0x8000004D;
	s11 =	ssub.s32 $0x2, s5;
	s14 =	smul.u32 $0x138800, s5  }
0xb: {  	s30 =	smul.u32 $0x13800, s0;
	p0 =	seq.s32 s0, $0xF;
	s4 =	sor.u32 s0, s1  }
0xc: {  	s8 =	sand.u32 $0x380, s8;
	s13 =	sshrl.u32 s11, $0x1;
	s1 =	sshrl.u32 s4, $0x3  }
0xd: {  	s29 =	smul.u32 $0x600, s4;
	s4 =	sadd.s32 $0x72400, s6;
	s9 =	sshrl.u32 s9, $0x2  }
0xe: {  	s11 =	ssub.s32 s11, s13;
	s31 =	sshrl.u32 s14, $0x3;
	s7 =	smul.u32 $0x13C00, s1  }
0xf: {  	s15 =	sadd.s32 s9, s2;
	s5 =	sadd.s32 s4, s12;
	s12 =	sadd.s32 $0x124800, s2  }
0x10: {  	s9 =	sadd.s32 s30, s14;
	s13 =	sadd.s32 s10, s31;
	s11 =	smax.u32 s11, $0x1  }
0x11: {  	s9 =	sshrl.u32 s9, $0x3;
	s12 =	sshrl.u32 @p0 s12, $0x3;
	s14 =	sshrl.u32 @!p0 s15, $0x3  }
0x12: {  	s15 =	simm.s32 $0x80;
	s7 =	sor.u32 s8, s7;
	s8 =	sadd.s32 s29, s6  }
0x13: {  	s9 =	sadd.s32 s10, s9;
	s10 =	sadd.s32 $0x24900, s13;
	s7 =	sshrl.u32 s7, $0x3  }
0x14: {  	s13 =	sshll.u32 @!p0 s0, $0x6;
	s8 =	sadd.s32 $0x5C600, s8;
	s7 =	sadd.s32 s7, s6  }
0x15: {  	s13 =	sor.u32 @!p0 $0x1C05, s13;
	s6 =	sadd.s32 $0x96D00, s6;
	s7 =	sadd.s32 $0x68600, s7  }
.LBB2_1:
0x16: {  	s29 =	simm.s32 @p0 $0x1FC5  }
0x17: {  	[spmem:s12], [sflag:s29] =	dma.local @p0 [hbm:s6], $0x2800  }
0x18: {  	s29 =	simm.s32 @p0 $0x5  }
0x19: {  	_ =	swait.ge @p0 [sflag:s29], $0x2800  }
0x1a: {  	[sflag:s29] =	ssyncset.done @p0 $0x0  }
0x1b: {  	[sflag:s29] =	ssyncadd.s32 @p0 $0xFFFFD800;
	s29 =	simm.s32 @!p0 $0x5  }
0x1c: {  	[spmem:s14], [sflag:s13] =	dma.local @!p0 [hbm:s5], $0x2700  }
0x1d: {  	_ =	swait.ge @!p0 [sflag:s29], $0x2700  }
0x1e: {  	[sflag:s29] =	ssyncset.done @!p0 $0x0  }
0x1f: {  	[sflag:s29] =	ssyncadd.s32 @!p0 $0xFFFFD900  }
0x20: {  	[tilespmem:s3], [sflag:$0x5] =	stream.strided.gather [hbm4b:s7+s15], $0x2780, s16, s15, $0x38;
	v63 =	vld [tilespmem:$0x0]  }
0x21: {  	_ =	swait.ge [sflag:s17], $0x2780  }
0x22: {  	[sflag:s17] =	ssyncset.done $0x0  }
0x23: {  	[sflag:s17] =	ssyncadd.s32 $0xFFFFD880  }
0x24: {  	[tilespmem:s18], [sflag:$0x5] =	stream.linear.gather [hbm4b:s8+s3], $0x2D00, $0x38;
	v63 =	vld [tilespmem:$0x0]  }
0x25: {  	_ =	swait.ge [sflag:s17], $0x2D00  }
0x26: {  	[sflag:s17] =	ssyncset.done $0x0  }
0x27: {  	[sflag:s17] =	ssyncadd.s32 $0xFFFFD300  }
0x28: {  	[bflag:$0x0] =	sbarrier.arrive $0xFFFF  }
0x29: {  	[tilespmem:s20], [sflag:$0x1] =	stream.indirect.gather [hbm4b:s4+s19], $0x80, s3, s19, $0xb8;
	v63 =	vld [tilespmem:$0x0]  }
0x2a: {  	_ =	swait.ge [sflag:s21], $0x3800  }
0x2b: {  	[sflag:s21] =	ssyncset.done $0x0  }
0x2c: {  	[sflag:s21] =	ssyncadd.s32 $0xFFFFC800  }
0x2d: {  	[spmem:s2] =	stream.indirect.scatter.add.f32 [tilespmem:s20], [sflag:$0x3], $0x80, s18, s19, $0xb8;
	v63 =	vld [tilespmem:$0x0]  }
0x2e: {  	_ = 	snop  }
0x2f: {  	[tilespmem:s22], [sflag:$0x2] =	stream.indirect.gather [hbm4b:s4+s19], $0x80, s19, s19, $0xb8;
	v63 =	vld [tilespmem:$0x0]  }
0x30: {  	_ =	swait.ge [sflag:s23], $0x3800  }
0x31: {  	[sflag:s23] =	ssyncset.done $0x0  }
0x32: {  	s29 =	simm.s32 $0x2800;
	[sflag:s23] =	ssyncadd.s32 $0xFFFFC800  }
0x33: {  	[spmem:s2] =	stream.indirect.scatter.add.f32 [tilespmem:s22], [sflag:$0x4], $0x80, s29, s19, $0xb8;
	v63 =	vld [tilespmem:$0x0]  }
0x34: {  	_ =	swait.ge [sflag:s24], $0x3800  }
0x35: {  	[sflag:s24] =	ssyncset.done $0x0  }
0x36: {  	s29 =	simm.s32 $0xE0;
	[sflag:s24] =	ssyncadd.s32 $0xFFFFC800  }
0x37: {  	[tilespmem:s20], [sflag:$0x1] =	stream.indirect.gather [hbm4b:s4+s19], $0x80, s29, s19, $0xb8;
	v63 =	vld [tilespmem:$0x0]  }
0x38: {  	_ =	swait.ge [sflag:s21], $0x3800  }
0x39: {  	[sflag:s21] =	ssyncset.done $0x0  }
0x3a: {  	s29 =	simm.s32 $0x2880;
	[sflag:s21] =	ssyncadd.s32 $0xFFFFC800  }
0x3b: {  	[spmem:s2] =	stream.indirect.scatter.add.f32 [tilespmem:s20], [sflag:$0x3], $0x80, s29, s19, $0xb8;
	v63 =	vld [tilespmem:$0x0]  }
0x3c: {  	_ =	swait.ge [sflag:s25], $0x3800  }
0x3d: {  	s31 =	simm.s32 $0x150;
	[sflag:s25] =	ssyncset.done $0x0  }
0x3e: {  	s30 =	simm.s32 $0x2900;
	s29 =	simm.s32 $0xFFFF6980;
	[sflag:s25] =	ssyncadd.s32 $0xFFFFC800  }
.LBB2_2:
0x3f: {  	[tilespmem:s22], [sflag:$0x2] =	stream.indirect.gather [hbm4b:s4+s19], $0x80, s31, s19, $0xb8;
	v63 =	vld [tilespmem:$0x0]  }
0x40: {  	s31 =	smov.u32 s29  }
0x41: {  	p1 =	sne.s32 s29, $0xFFFFFC80;
	s29 =	sadd.s32 $0x380, s29;
	_ =	swait.ge [sflag:s23], $0x3800  }
0x42: {  	[sflag:s23] =	ssyncset.done $0x0  }
0x43: {  	[sflag:s23] =	ssyncadd.s32 $0xFFFFC800  }
0x44: {  	[spmem:s2] =	stream.indirect.scatter.add.f32 [tilespmem:s22], [sflag:$0x4], $0x80, s30, s19, $0xb8;
	v63 =	vld [tilespmem:$0x0]  }
0x45: {  	_ =	swait.ge [sflag:s24], $0x3800  }
0x46: {  	s31 =	sshra.s32 s31, $0x2;
	[sflag:s24] =	ssyncset.done $0x0  }
0x47: {  	s1 =	sadd.s32 $0x2760, s31;
	[sflag:s24] =	ssyncadd.s32 $0xFFFFC800  }
0x48: {  	[tilespmem:s20], [sflag:$0x1] =	stream.indirect.gather [hbm4b:s4+s19], $0x80, s1, s19, $0xb8;
	v63 =	vld [tilespmem:$0x0]  }
0x49: {  	_ =	swait.ge [sflag:s21], $0x3800  }
0x4a: {  	[sflag:s21] =	ssyncset.done $0x0  }
.Ltmp0:
0x4b: {  	s1 =	sadd.s32 $0x80, s30;
	[sflag:s21] =	ssyncadd.s32 $0xFFFFC800;
	(pc) =	sbr.rel @p1 .LBB2_2-.Ltmp0, $4  }
0x4c: {  	[spmem:s2] =	stream.indirect.scatter.add.f32 [tilespmem:s20], [sflag:$0x3], $0x80, s1, s19, $0xb8;
	v63 =	vld [tilespmem:$0x0]  }
0x4d: {  	_ =	swait.ge [sflag:s25], $0x3800  }
0x4e: {  	[sflag:s25] =	ssyncset.done $0x0  }
0x4f: {  	s31 =	sadd.s32 $0x27D0, s31;
	s30 =	sadd.s32 $0x100, s30;
	[sflag:s25] =	ssyncadd.s32 $0xFFFFC800  }
0x50: {  	[tilespmem:s22], [sflag:$0x2] =	stream.indirect.gather [hbm4b:s4+s19], $0x80, s31, s19, $0xb8;
	v63 =	vld [tilespmem:$0x0]  }
0x51: {  	_ =	swait.ge [sflag:s23], $0x3800  }
0x52: {  	[sflag:s23] =	ssyncset.done $0x0  }
0x53: {  	[sflag:s23] =	ssyncadd.s32 $0xFFFFC800  }
0x54: {  	[spmem:s2] =	stream.indirect.scatter.add.f32 [tilespmem:s22], [sflag:$0x4], $0x80, s26, s19, $0xb8;
	v63 =	vld [tilespmem:$0x0]  }
0x55: {  	_ =	swait.ge [sflag:s24], $0x3800  }
0x56: {  	[sflag:s24] =	ssyncset.done $0x0  }
0x57: {  	[sflag:s24] =	ssyncadd.s32 $0xFFFFC800  }
0x58: {  	_ =	swait.ge [sflag:s25], $0x3800  }
0x59: {  	[sflag:s25] =	ssyncset.done $0x0  }
0x5a: {  	[sflag:s25] =	ssyncadd.s32 $0xFFFFC800  }
0x5b: {  	s1 =	simm.s32 @p0 $0x1FC5;
	[bflag:$0x0] =	sbarrier.arrive $0xFFFF  }
0x5c: {  	[hbm:s10], [sflag:s1] =	dma.local @p0 [spmem:s12], $0x2800  }
0x5d: {  	s1 =	simm.s32 @p0 $0x5  }
0x5e: {  	s28 =	sadd.s32 $0x1, s28;
	_ =	swait.ge @p0 [sflag:s1], $0x2800  }
0x5f: {  	p1 =	sne.s32 s28, s11;
	[sflag:s1] =	ssyncset.done @p0 $0x0  }
.Ltmp1:
0x60: {  	[sflag:s1] =	ssyncadd.s32 @p0 $0xFFFFD800;
	s1 =	simm.s32 @!p0 $0x5;
	(pc) =	sbr.rel @p1 .LBB2_1-.Ltmp1, $4  }
0x61: {  	[hbm:s9], [sflag:s13] =	dma.local @!p0 [spmem:s14], $0x2700  }
0x62: {  	_ =	swait.ge @!p0 [sflag:s1], $0x2700  }
0x63: {  	[sflag:s1] =	ssyncset.done @!p0 $0x0  }
0x64: {  	[sflag:s1] =	ssyncadd.s32 @!p0 $0xFFFFD900  }
0x65: {  	_ =	sfence.sel $0x180000  }
0x66: {  	[bflag:$0x0] =	sbarrier.arrive $0xFFFF  }
0x67: {  	_ =	strace $0x9000004D  }
0x68: {  	[bflag:$0x2] =	sbarrier.arrive $0xFFFF  }
0x69: {  	p0 =	sne.s32 s0, $0x0;
	s0 =	rddreg [dreg:$0x2]  }
0x6a: {  	s0 =	sadd.s32 @!p0 $0x100000, s0  }
0x6b: {  	[sflag:s0] =	ssyncadd.tile.s32 @!p0 $0x1;
	_ =	shalt  }
.Lfunc_end2:
_tile_overlayer_lowered:
.L_overlay_start_2:
0x6c: {  	(tag) =	ssettag $0x2  }
0x6d: {  	s0 =	rddreg [dreg:$0x0];
	s2 =	stileid.u32  }
0x6e: {  	s1 =	rddreg [dreg:$0x1];
	p0 =	sne.s32 s2, $0x0  }
0x6f: {  	s3 =	rddreg [dreg:$0x2];
	[bflag:$0x3] =	sbarrier.arrive $0xFFFF;
	s2 =	simm.s32 @!p0 $0x1C05  }
0x70: {  	[timem:s3], [sflag:s2] =	dma.local @!p0 [hbm:s0], s1  }
0x71: {  	s0 =	simm.s32 @!p0 $0x5  }
0x72: {  	_ =	swait.ge @!p0 [sflag:s0], s1  }
0x73: {  	s1 =	ssub.s32 @!p0 $0x0, s1;
	[sflag:s0] =	ssyncset.done @!p0 $0x0  }
0x74: {  	[sflag:s0] =	ssyncadd.s32 @!p0 s1  }
0x75: {  	[bflag:$0x3] =	sbarrier.arrive $0xFFFF  }
0x76: {  	_ =	shalt  }

// kernel: kernel.9.cloned.1.call-start
scs
__scs_entry_jumppad:
0x0: {  	(pc) =	sbr.rel $0x88, $3  }
0x1: {  	(tag) =	ssettag $0x0;
	lr =	simm.s32 $0x1  }
0x2: {  	[smem:$0x3F99] =	sst lr;
	_ =	strace $0xD0000000  }
0x3: {  	_ = 	snop  }
0x4: {  	_ = 	snop  }
0x5: {  	_ = 	snop  }
0x6: {  	_ = 	snop  }
0x7: {  	_ = 	snop  }
__scs_overlays_trampoline_lowered:
0x8: {  	[smem:$0x3FA8] =	sst s0  }
0x9: {  	[smem:$0x3FA9] =	sst s1  }
0xa: {  	[smem:$0x3FAA] =	sst s2  }
0xb: {  	[smem:$0x3FAB] =	sst s3  }
0xc: {  	[smem:$0x3FAC] =	sst s4  }
0xd: {  	[smem:$0x3FAD] =	sst s5  }
0xe: {  	[smem:$0x3FAE] =	sst s6  }
0xf: {  	[smem:$0x3FAF] =	sst s7  }
0x10: {  	[smem:$0x3FB0] =	sst s8  }
0x11: {  	[smem:$0x3FB1] =	sst s9;
	s0 =	simm.s32 @!p0 $0x0  }
0x12: {  	s1 =	sld [smem:$0x3F97];
	s0 =	simm.s32 @p0 $0x1  }
0x13: {  	[smem:$0x3FB2] =	sst s0;
	s0 =	simm.s32 @!p1 $0x0  }
0x14: {  	s2 =	sld [smem:$0x3F96];
	s0 =	simm.s32 @p1 $0x1  }
0x15: {  	[smem:$0x3FB3] =	sst s0;
	s0 =	simm.s32 @!p2 $0x0  }
0x16: {  	s3 =	sld [smem:$0x3FDB];
	s0 =	simm.s32 @p2 $0x1  }
0x17: {  	s4 =	simm.s32 $0x1BF5;
	[smem:$0x3FB5] =	sst s0  }
0x18: {  	s0 =	sld [smem:$0x3F98];
	_ =	swait.ge [sflag:s4], $0x0  }
0x19: {  	s7 =	sld [smem:$0x3F99]  }
0x1a: {  	s8 =	sadd.s32 $0xFFFFE003, lr  }
0x1b: {  	s9 =	sadd.s32 $0xFFFFFEF7, lr;
	s5 =	simm.s32 $0xFFFFFFFF;
	p2 =	slt.u32 s8, $0xFFFFF086  }
0x1c: {  	p1 =	slt.u32 s9, $0xF7A;
	s5 =	simm.s32 @!p2 $0x0  }
0x1d: {  	s5 =	simm.s32 @p1 $0x1;
	p0 =	seq.s32 s7, s2  }
0x1e: {  	s7 =	smul.u32 @!p0 $0xF7A, s2;
	p2 =	seq.s32 @!p0 s5, $0x0  }
0x1f: {  	s9 =	smul.u32 $0xF7A, s1;
	s8 =	simm.s32 @!p0 $0x1BF5;
	p2 =	por !p2, p0  }
0x20: {  	[sflag:s8] =	ssyncset.s32 @!p0 $0xFFFFF086;
	s6 =	sadd.s32 @!p0 s3, s7;
	s7 =	simm.s32 @!p0 $0x108  }
0x21: {  	s3 =	sadd.s32 s3, s9;
	s6 =	sadd.s32 @!p0 $0x88, s6;
	s7 =	simm.s32 @p2 $0x1082  }
0x22: {  	[simem:s7], [sflag:s8] =	dma.local @!p0 [hbm:s6], $0xF7A  }
0x23: {  	s9 =	sor.u32 $0xD0000000, s2;
	s6 =	simm.s32 $0x108;
	_ =	swait.ge @!p0 [sflag:s8], $0x0  }
0x24: {  	s3 =	sadd.s32 $0x88, s3;
	s6 =	simm.s32 @!p1 $0x1082;
	[sflag:s4] =	ssyncset.s32 $0xFFFFF086  }
0x25: {  	[simem:s6], [sflag:s4] =	dma.local [hbm:s3], $0xF7A  }
0x26: {  	[smem:$0x3F99] =	sst s1;
	(tag) =	ssettag s2;
	_ =	strace s9  }
0x27: {  	s1 =	sld [smem:$0x3FA9]  }
0x28: {  	s2 =	sld [smem:$0x3FAA]  }
0x29: {  	s4 =	sld [smem:$0x3FAC]  }
0x2a: {  	p0 =	seq.s32 s5, $0x0;
	s5 =	sld [smem:$0x3FAD]  }
0x2b: {  	s6 =	sld [smem:$0x3FAE]  }
0x2c: {  	s7 =	sld [smem:$0x3FAF]  }
0x2d: {  	s3 =	simm.s32 $0x108;
	s8 =	sld [smem:$0x3FB0]  }
0x2e: {  	s3 =	simm.s32 @!p0 $0x1082;
	s9 =	sld [smem:$0x3FB1]  }
0x2f: {  	lr =	sadd.s32 s0, s3;
	s0 =	sld [smem:$0x3FA8]  }
0x30: {  	s3 =	sld [smem:$0x3FAB]  }
0x31: {  	[smem:$0x3FB4] =	sst s10  }
0x32: {  	s10 =	sld [smem:$0x3FB2];
	_ =	sdelay $0x3  }
0x33: {  	p0 =	seq.s32 s10, $0x1;
	s10 =	sld [smem:$0x3FB4];
	_ =	sdelay $0x3  }
0x34: {  	[smem:$0x3FB4] =	sst s10  }
0x35: {  	s10 =	sld [smem:$0x3FB3];
	_ =	sdelay $0x3  }
0x36: {  	p1 =	seq.s32 s10, $0x1;
	s10 =	sld [smem:$0x3FB4];
	_ =	sdelay $0x3  }
0x37: {  	[smem:$0x3FB4] =	sst s10  }
0x38: {  	s10 =	sld [smem:$0x3FB5]  }
0x39: {  	_ = 	snop;
	(pc) =	sbr.ind lr, $3  }
0x3a: {  	_ = 	snop  }
0x3b: {  	_ = 	snop  }
0x3c: {  	p2 =	seq.s32 s10, $0x1;
	s10 =	sld [smem:$0x3FB4]  }
0x3d: {  	_ =	shalt  }
0x3e: {  	_ =	shalt  }
0x3f: {  	_ =	shalt  }
0x40: {  	_ =	shalt  }
0x41: {  	_ =	shalt  }
0x42: {  	_ =	shalt  }
0x43: {  	_ =	shalt  }
0x44: {  	_ =	shalt  }
0x45: {  	_ =	shalt  }
0x46: {  	_ =	shalt  }
0x47: {  	_ =	shalt  }
0x48: {  	_ =	shalt  }
0x49: {  	_ =	shalt  }
0x4a: {  	_ =	shalt  }
0x4b: {  	_ =	shalt  }
0x4c: {  	_ =	shalt  }
0x4d: {  	_ =	shalt  }
0x4e: {  	_ =	shalt  }
0x4f: {  	_ =	shalt  }
0x50: {  	_ =	shalt  }
0x51: {  	_ =	shalt  }
0x52: {  	_ =	shalt  }
0x53: {  	_ =	shalt  }
0x54: {  	_ =	shalt  }
0x55: {  	_ =	shalt  }
0x56: {  	_ =	shalt  }
0x57: {  	_ =	shalt  }
0x58: {  	_ =	shalt  }
0x59: {  	_ =	shalt  }
0x5a: {  	_ =	shalt  }
0x5b: {  	_ =	shalt  }
0x5c: {  	_ =	shalt  }
0x5d: {  	_ =	shalt  }
0x5e: {  	_ =	shalt  }
0x5f: {  	_ =	shalt  }
0x60: {  	_ =	shalt  }
0x61: {  	_ =	shalt  }
0x62: {  	_ =	shalt  }
0x63: {  	_ =	shalt  }
0x64: {  	_ =	shalt  }
0x65: {  	_ =	shalt  }
0x66: {  	_ =	shalt  }
0x67: {  	_ =	shalt  }
0x68: {  	_ =	shalt  }
0x69: {  	_ =	shalt  }
0x6a: {  	_ =	shalt  }
0x6b: {  	_ =	shalt  }
0x6c: {  	_ =	shalt  }
0x6d: {  	_ =	shalt  }
0x6e: {  	_ =	shalt  }
0x6f: {  	_ =	shalt  }
0x70: {  	_ =	shalt  }
0x71: {  	_ =	shalt  }
0x72: {  	_ =	shalt  }
0x73: {  	_ =	shalt  }
0x74: {  	_ =	shalt  }
0x75: {  	_ =	shalt  }
0x76: {  	_ =	shalt  }
0x77: {  	_ =	shalt  }
0x78: {  	_ =	shalt  }
0x79: {  	_ =	shalt  }
0x7a: {  	_ =	shalt  }
0x7b: {  	_ =	shalt  }
0x7c: {  	_ =	shalt  }
0x7d: {  	_ =	shalt  }
0x7e: {  	_ =	shalt  }
0x7f: {  	_ =	shalt  }
0x80: {  	_ =	shalt  }
0x81: {  	_ =	shalt  }
0x82: {  	_ =	shalt  }
0x83: {  	_ =	shalt  }
0x84: {  	_ =	shalt  }
0x85: {  	_ =	shalt  }
0x86: {  	_ =	shalt  }
0x87: {  	_ =	shalt  }
.Lfunc_end0:
.L_simem_size_0:
called_computation_lowered:
.L_overlay_start_0:
0x88: {  	s2 =	sld [smem:$0x3FD9]  }
0x89: {  	s3 =	sld [smem:$0x3FFE];
	_ =	sdelay $0x1  }
0x8a: {  	s1 =	srdreg.scid  }
0x8b: {  	s0 =	sand.u32 $0x1, s1  }
0x8c: {  	s16 =	sshll.u32 s0, $0xA;
	s2 =	sadd.s32 s3, s2  }
0x8d: {  	s2 =	sadd.s32 s2, s16  }
0x8e: {  	[smem:$0x3FC0] =	sst s2  }
0x8f: {  	_ = 	snop  }
0x90: {  	(tm) =	ssettm $0x1  }
0x91: {  	s17 =	sld [smem:$0x3FFB];
	_ =	sdelay $0x3  }
0x92: {  	_ =	strace s17  }
0x93: {  	s2 =	sld [smem:$0x3FFC];
	_ =	sdelay $0x3  }
0x94: {  	_ =	strace s2  }
0x95: {  	s2 =	sld [smem:$0x3FFD];
	_ =	sdelay $0x3  }
0x96: {  	_ =	strace s2  }
0x97: {  	_ =	strace $0x8FFFFFFF  }
0x98: {  	s18 =	sld [smem:$0x3FDB];
	_ =	sdelay $0x1  }
0x99: {  	s19 =	simm.s32 $_scs_section_size  }
0x9a: {  	s4 =	simm.s32 $_size__tile_overlayer_lowered;
	s5 =	simm.s32 $_tile_overlayer_lowered  }
0x9b: {  	s22 =	simm.s32 $0x1BFF;
	s21 =	sshll.u32 s5, $0x1;
	s2 =	sadd.s32 s19, s18  }
0x9c: {  	s6 =	simm.s32 $0x0;
	s20 =	sshll.u32 s4, $0x1;
	s4 =	sadd.s32 s21, s2  }
0x9d: {  	[timem:s6], [sflag:s22] =	dma.local [hbm:s4], s20  }
0x9e: {  	_ =	swait.ge [sflag:s22], s20  }
0x9f: {  	s3 =	ssub.s32 $0x0, s20;
	[sflag:s22] =	ssyncset.done $0x0  }
0xa0: {  	[sflag:s22] =	ssyncadd.s32 s3;
	_ =	sdelay $0x1  }
0xa1: {  	s23 =	simm.s32 $0x1B8B  }
0xa2: {  	_ =	swait.ge [sflag:s23], $0x1  }
0xa3: {  	[sflag:s23] =	ssyncset.done $0x0  }
0xa4: {  	s25 =	simm.s32 $0x1B8E;
	s24 =	sld [smem:$0x3FFE];
	[sflag:s23] =	ssyncadd.s32 $0xFFFFFFFF  }
0xa5: {  	s26 =	simm.s32 $execute0_lowered;
	[smem:$0x3FD2] =	sst s25  }
0xa6: {  	s4 =	sshll.u32 s26, $0x1;
	_ =	strace $0x80000046;
	[dreg:$0x1] =	wrdreg $0xFFFFFFFF  }
0xa7: {  	s28 =	simm.s32 $_size_execute0_lowered;
	s2 =	sadd.s32 s2, s4;
	[dreg:$0x0] =	wrdreg $0x0  }
0xa8: {  	s4 =	sshll.u32 s28, $0x1;
	[dreg:$0x2] =	wrdreg s2  }
0xa9: {  	[dreg:$0x3] =	wrdreg s4  }
0xaa: {  	[dreg:$0x4] =	wrdreg $0xC0  }
0xab: {  	_ =	task [dreg:s6], $0x5FFFF  }
0xac: {  	[dreg:$0x1] =	wrdreg $0xFFFFFFFF  }
0xad: {  	[dreg:$0x0] =	wrdreg $0x60  }
0xae: {  	[dreg:$0x2] =	wrdreg s24  }
0xaf: {  	[dreg:$0x3] =	wrdreg $0x68000  }
0xb0: {  	[dreg:$0x4] =	wrdreg $0x9  }
0xb1: {  	_ =	task.clear_ibuf [dreg:s6], $0x5FFFF;
	_ =	strace $0x90000046  }
0xb2: {  	s29 =	simm.s32 $0x9;
	_ =	strace $0x80000048  }
0xb3: {  	_ =	swait.ge [sflag:s29], $0x1  }
0xb4: {  	[sflag:s29] =	ssyncadd.s32 $0xFFFFFFFF  }
0xb5: {  	_ =	strace $0x90000048  }
0xb6: {  	_ =	sfence  }
0xb7: {  	s30 =	sld [smem:$0x0];
	_ =	sdelay $0x2  }
0xb8: {  	s31 =	sshll.u32 s1, $0xD;
	s1 =	sshrl.u32 s1, $0x2  }
0xb9: {  	s3 =	sand.u32 $0x4000, s31;
	s1 =	sadd.s32 s1, s30  }
0xba: {  	s0 =	sor.u32 s3, s0;
	s1 =	sshll.u32 s1, $0x11  }
0xbb: {  	s0 =	sor.u32 s1, s0  }
0xbc: {  	s0 =	sadd.s32 $0x8F2B, s0  }
0xbd: {  	[sflag:s0] =	ssyncadd.remote.s32 $0x1  }
0xbe: {  	_ =	sfence.sel $0xFFFF  }
0xbf: {  	[dreg:$0x0] =	wrdreg $0xFFFFFFFF;
	(pc) =	sbr.abs _section_cstart, $3  }
0xc0: {  	[dreg:$0x1] =	wrdreg $0xFFFFFFFF  }
0xc1: {  	_ =	task.clear_ibuf [dreg:s6], $0x2FFFF;
	_ =	strace $0x9FFFFFFF  }
0xc2: {  	(tm) =	ssettm $0x7FFFFFFF  }
0xc3: {  	_ =	shalt  }
tec
execute0_lowered:
.L_overlay_start_1:
0x0: {  	(tag) =	ssettag $0x1  }
0x1: {  	s5 =	rddreg [dreg:$0x0]  }
0x2: {  	s0 =	srdreg.scid;
	s2 =	rddreg [dreg:$0x1]  }
0x3: {  	s1 =	stileid.u32;
	s3 =	simm.s32 $0x0;
	s14 =	simm.s32 $0x80  }
0x4: {  	s15 =	simm.s32 $0x1;
	s6 =	sand.u32 $0x1, s0;
	s0 =	rddreg [dreg:$0x2]  }
0x5: {  	s16 =	simm.s32 $0x0;
	[smem:$0x7FF] =	sst s3;
	s8 =	smul.u32 $0x4E000, s1  }
0x6: {  	s9 =	sadd.s32 $0xE400, s5;
	s11 =	smul.u32 $0x13800, s1;
	s13 =	sadd.s32 $0x124800, s2  }
0x7: {  	p0 =	seq.s32 s1, $0xF;
	s4 =	sshll.u32 s6, $0x4;
	_ =	strace $0x80000047  }
0x8: {  	s29 =	ssub.s32 $0x2, s6;
	s6 =	smul.u32 $0x138800, s6;
	s4 =	sor.u32 s1, s4  }
0x9: {  	s10 =	sshrl.u32 s29, $0x1;
	s8 =	sshrl.u32 s8, $0x2;
	s4 =	smul.u32 $0x500, s4  }
0xa: {  	s10 =	ssub.s32 s29, s10;
	s30 =	sadd.s32 s11, s6;
	s6 =	sshrl.u32 s6, $0x3  }
0xb: {  	s12 =	sadd.s32 s8, s2;
	s11 =	sshll.u32 @!p0 s1, $0x6;
	s31 =	sadd.s32 s9, s6  }
0xc: {  	s8 =	smax.u32 s10, $0x1;
	s10 =	sor.u32 @!p0 $0x1C02, s11;
	s7 =	sadd.s32 s4, s5  }
0xd: {  	s4 =	sadd.s32 $0xBC00, s5;
	s5 =	sadd.s32 $0x1C00, s7;
	s7 =	sshrl.u32 s30, $0x3  }
0xe: {  	s11 =	sshrl.u32 @!p0 s12, $0x3;
	s12 =	simm.s32 $0x2800;
	s6 =	sadd.s32 s9, s7  }
0xf: {  	s7 =	sadd.s32 $0x24900, s31;
	s9 =	sshrl.u32 @p0 s13, $0x3;
	s13 =	simm.s32 $0x2  }
.LBB2_1:
0x10: {  	s17 =	simm.s32 @p0 $0x1FC2  }
0x11: {  	[spmem:s9], [sflag:s17] =	dma.local @p0 [hbm:s4], $0x2800  }
0x12: {  	s17 =	simm.s32 @p0 $0x2  }
0x13: {  	_ =	swait.ge @p0 [sflag:s17], $0x2800  }
0x14: {  	[sflag:s17] =	ssyncset.done @p0 $0x0  }
0x15: {  	[sflag:s17] =	ssyncadd.s32 @p0 $0xFFFFD800;
	s17 =	simm.s32 @!p0 $0x2  }
0x16: {  	[spmem:s11], [sflag:s10] =	dma.local @!p0 [hbm:s4], $0x2700  }
0x17: {  	_ =	swait.ge @!p0 [sflag:s17], $0x2700  }
0x18: {  	[sflag:s17] =	ssyncset.done @!p0 $0x0  }
0x19: {  	[sflag:s17] =	ssyncadd.s32 @!p0 $0xFFFFD900  }
0x1a: {  	[tilespmem:s12], [sflag:$0x2] =	stream.linear.gather [hbm4b:s4+s3], $0x4000, $0x38;
	[tilespmem:$0x8F18] =	vst v63  }
0x1b: {  	_ =	swait.ge [sflag:s13], $0x4000  }
0x1c: {  	[sflag:s13] =	ssyncset.done $0x0  }
0x1d: {  	[sflag:s13] =	ssyncadd.s32 $0xFFFFC000  }
0x1e: {  	[tilespmem:s3], [sflag:$0x2] =	stream.linear.gather [hbm4b:s5+s3], $0x2800, $0x38;
	[tilespmem:$0x8F18] =	vst v63  }
0x1f: {  	_ =	swait.ge [sflag:s13], $0x2800  }
0x20: {  	[sflag:s13] =	ssyncset.done $0x0  }
0x21: {  	[sflag:s13] =	ssyncadd.s32 $0xFFFFD800  }
0x22: {  	[bflag:$0x0] =	sbarrier.arrive $0xFFFF  }
0x23: {  	[spmem:s2] =	stream.indirect.scatter.add.f32 [tilespmem:s12], [sflag:$0x1], $0x10, s3, s14, $0xb8;
	[tilespmem:$0x8F18] =	vst v63  }
0x24: {  	s31 =	simm.s32 $0x80  }
0x25: {  	[spmem:s2] =	stream.indirect.scatter.add.f32 [tilespmem:s12], [sflag:$0x1], $0x10, s31, s14, $0xb8;
	[tilespmem:$0x8F18] =	vst v63  }
0x26: {  	_ =	swait.ge [sflag:s15], $0x800  }
0x27: {  	s17 =	simm.s32 $0x400;
	[sflag:s15] =	ssyncset.done $0x0  }
.LBB2_2:
0x28: {  	s18 =	sshra.s32 s17, $0x2;
	[sflag:s15] =	ssyncadd.s32 $0xFFFFF800;
	p1 =	sne.s32 s17, $0x9E00  }
0x29: {  	[spmem:s2] =	stream.indirect.scatter.add.f32 [tilespmem:s12], [sflag:$0x1], $0x10, s18, s14, $0xb8;
	[tilespmem:$0x8F18] =	vst v63  }
.Ltmp0:
0x2a: {  	_ = 	snop;
	(pc) =	sbr.rel @p1 .LBB2_2-.Ltmp0, $4  }
0x2b: {  	_ = 	snop  }
0x2c: {  	s17 =	sadd.s32 $0x200, s17  }
0x2d: {  	_ =	swait.ge [sflag:s15], $0x800  }
0x2e: {  	[sflag:s15] =	ssyncset.done $0x0  }
0x2f: {  	[sflag:s15] =	ssyncadd.s32 $0xFFFFF800  }
0x30: {  	_ =	swait.ge [sflag:s15], $0x800  }
0x31: {  	[sflag:s15] =	ssyncset.done $0x0  }
0x32: {  	[sflag:s15] =	ssyncadd.s32 $0xFFFFF800  }
0x33: {  	s17 =	simm.s32 @p0 $0x1FC2;
	[bflag:$0x0] =	sbarrier.arrive $0xFFFF  }
0x34: {  	[hbm:s7], [sflag:s17] =	dma.local @p0 [spmem:s9], $0x2800  }
0x35: {  	s17 =	simm.s32 @p0 $0x2  }
0x36: {  	s16 =	sadd.s32 $0x1, s16;
	_ =	swait.ge @p0 [sflag:s17], $0x2800  }
0x37: {  	p1 =	sne.s32 s16, s8;
	[sflag:s17] =	ssyncset.done @p0 $0x0  }
.Ltmp1:
0x38: {  	[sflag:s17] =	ssyncadd.s32 @p0 $0xFFFFD800;
	s17 =	simm.s32 @!p0 $0x2;
	(pc) =	sbr.rel @p1 .LBB2_1-.Ltmp1, $4  }
0x39: {  	[hbm:s6], [sflag:s10] =	dma.local @!p0 [spmem:s11], $0x2700  }
0x3a: {  	_ =	swait.ge @!p0 [sflag:s17], $0x2700  }
0x3b: {  	[sflag:s17] =	ssyncset.done @!p0 $0x0  }
0x3c: {  	[sflag:s17] =	ssyncadd.s32 @!p0 $0xFFFFD900  }
0x3d: {  	_ =	sfence.sel $0x180000  }
0x3e: {  	[bflag:$0x0] =	sbarrier.arrive $0xFFFF  }
0x3f: {  	p0 =	sne.s32 s1, $0x0;
	_ =	strace $0x90000047  }
0x40: {  	s0 =	sadd.s32 @!p0 $0x100000, s0;
	[bflag:$0x2] =	sbarrier.arrive $0xFFFF  }
0x41: {  	[sflag:s0] =	ssyncadd.tile.s32 @!p0 $0x1;
	_ =	shalt  }
.Lfunc_end2:
_tile_overlayer_lowered:
.L_overlay_start_2:
0x42: {  	(tag) =	ssettag $0x2  }
0x43: {  	s0 =	rddreg [dreg:$0x0];
	s2 =	stileid.u32  }
0x44: {  	s1 =	rddreg [dreg:$0x1];
	p0 =	sne.s32 s2, $0x0  }
0x45: {  	s3 =	rddreg [dreg:$0x2];
	[bflag:$0x3] =	sbarrier.arrive $0xFFFF;
	s2 =	simm.s32 @!p0 $0x1C02  }
0x46: {  	[timem:s3], [sflag:s2] =	dma.local @!p0 [hbm:s0], s1  }
0x47: {  	s0 =	simm.s32 @!p0 $0x2  }
0x48: {  	_ =	swait.ge @!p0 [sflag:s0], s1  }
0x49: {  	s1 =	ssub.s32 @!p0 $0x0, s1;
	[sflag:s0] =	ssyncset.done @!p0 $0x0  }
0x4a: {  	[sflag:s0] =	ssyncadd.s32 @!p0 s1  }
0x4b: {  	[bflag:$0x3] =	sbarrier.arrive $0xFFFF  }
0x4c: {  	_ =	shalt  }

</sc_bundles>
